<compile_context>
chip_gen: v7x
topology: tpu7x:2x2x1
jax: 0.10.2.dev20260603
libtpu: 0.0.44.dev20260713+nightly
codegen_flags: <defaults>
</compile_context>

<pallas_src>
import jax
import jax.numpy as jnp
from jax import lax
from jax.experimental import pallas as pl
from jax.experimental.pallas import tpu as pltpu
from jax.experimental.pallas import tpu_sc as plsc

NC = 2
NS = 16
LANES = 16


def _split_dot(v, m):
    hi = v.astype(jnp.bfloat16).astype(jnp.float32)
    return (jnp.dot(hi, m, preferred_element_type=jnp.float32)
            + jnp.dot(v - hi, m, preferred_element_type=jnp.float32))


def _gather_dot(onehot, tbl):
    hi = tbl.astype(jnp.bfloat16).astype(jnp.float32)
    return (jnp.dot(onehot, hi, preferred_element_type=jnp.float32)
            + jnp.dot(onehot, tbl - hi, preferred_element_type=jnp.float32))


def _edge_body(ebi_ref, ea_ref, instr_ref, wedge_ref, wrel_ref, s_ref):
    be = ea_ref.shape[0]
    b = instr_ref.shape[0]
    ebi_t = jnp.swapaxes(ebi_ref[0], 0, 1)
    iota_b = lax.broadcasted_iota(jnp.int32, (128, b), 1)
    chunks = [(ebi_t[:, q:q + 1] == iota_b).astype(jnp.float32)
              for q in range(be // 128)]
    onehot_e = jnp.concatenate(chunks, axis=0)
    instr_g = jnp.dot(onehot_e, instr_ref[...],
                      preferred_element_type=jnp.float32)
    y = jnp.dot(instr_g * ea_ref[...], wedge_ref[...],
                preferred_element_type=jnp.float32)
    y = jnp.where(y > 0, y, jnp.exp(y) - 1.0)
    s_ref[...] = jnp.sum(y * wrel_ref[...], axis=1).reshape(1, be // 128, 128)


def _edge_scores(edge_attrs, instruction_batch, w_edge, w_rel, ebi):
    e, h = edge_attrs.shape
    b = instruction_batch.shape[0]
    be = 6400
    grid = e // be
    return pl.pallas_call(
        _edge_body,
        grid=(grid,),
        in_specs=[
            pl.BlockSpec((1, be // 128, 128), lambda i: (i, 0, 0)),
            pl.BlockSpec((be, h), lambda i: (i, 0)),
            pl.BlockSpec((b, h), lambda i: (0, 0)),
            pl.BlockSpec((h, h), lambda i: (0, 0)),
            pl.BlockSpec((1, h), lambda i: (0, 0)),
        ],
        out_specs=pl.BlockSpec((1, be // 128, 128), lambda i: (i, 0, 0)),
        out_shape=jax.ShapeDtypeStruct((grid, be // 128, 128), jnp.float32),
    )(ebi.reshape(grid, be // 128, 128), edge_attrs, instruction_batch,
      w_edge, w_rel.reshape(1, h))


def _node_body(ni_ref, na_ref, instr_ref, nps_ref, wprops_ref, wnode_ref,
               x_ref):
    bn = na_ref.shape[0]
    b, h = instr_ref.shape
    p_cnt = wprops_ref.shape[0]
    onehot = (ni_ref[...] == lax.broadcasted_iota(jnp.int32, (bn, b), 1))
    onehot = onehot.astype(jnp.float32)
    ib = _gather_dot(onehot, instr_ref[...])
    aps = _gather_dot(onehot, nps_ref[...])
    acc = jnp.zeros((bn, h), jnp.float32)
    for p in range(p_cnt):
        zp = aps[:, p:p + 1] * ib * na_ref[:, p, :]
        acc = acc + jnp.dot(zp, wprops_ref[p],
                            preferred_element_type=jnp.float32)
    yk = jnp.where(acc > 0, acc, jnp.exp(acc) - 1.0)
    x_ref[...] = jnp.sum(yk * wnode_ref[...], axis=1).reshape(1, 1, bn)


def _node_scores(node_attrs, instruction_batch, node_prop_similarities,
                 w_props, w_node, ni):
    n, p_cnt, h = node_attrs.shape
    b = instruction_batch.shape[0]
    bn = 1000
    grid = n // bn
    return pl.pallas_call(
        _node_body,
        grid=(grid,),
        in_specs=[
            pl.BlockSpec((bn, 1), lambda i: (i, 0)),
            pl.BlockSpec((bn, p_cnt, h), lambda i: (i, 0, 0)),
            pl.BlockSpec((b, h), lambda i: (0, 0)),
            pl.BlockSpec((b, p_cnt), lambda i: (0, 0)),
            pl.BlockSpec((p_cnt, h, h), lambda i: (0, 0, 0)),
            pl.BlockSpec((1, h), lambda i: (0, 0)),
        ],
        out_specs=pl.BlockSpec((1, 1, bn), lambda i: (i, 0, 0)),
        out_shape=jax.ShapeDtypeStruct((grid, 1, bn), jnp.float32),
    )(ni.reshape(n, 1), node_attrs, instruction_batch,
      node_prop_similarities, w_props, w_node.reshape(1, h))


def _sc_scatter_body(n_pad, ec, s_hbm, src_hbm, dst_hbm, dist_hbm, zeros_hbm,
                     part_hbm, s_v, src_v, dst_v, dist_v, acc_v, tmp_v, red_v,
                     kbuf_v, shared_acc, sem):
    c = lax.axis_index("c")
    s = lax.axis_index("s")
    wid = c * NS + s
    ebase = wid * ec
    nslice = n_pad // NS

    cps = [
        pltpu.async_copy(s_hbm.at[pl.ds(ebase, ec)], s_v, sem),
        pltpu.async_copy(src_hbm.at[pl.ds(ebase, ec)], src_v, sem),
        pltpu.async_copy(dst_hbm.at[pl.ds(ebase, ec)], dst_v, sem),
        pltpu.async_copy(dist_hbm, dist_v, sem),
        pltpu.async_copy(zeros_hbm, acc_v, sem),
    ]
    for cp in cps:
        cp.wait()

    lanes_iota = lax.iota(jnp.int32, LANES)
    kbuf_v[pl.ds(LANES, LANES)] = jnp.full((LANES,), -1, jnp.int32)

    @pl.loop(0, ec // LANES, unroll=4)
    def _edges(i):
        sl = pl.ds(i * LANES, LANES)
        d16 = plsc.load_gather(dist_v, [src_v[sl]])
        k, v = plsc.sort_key_val(dst_v[sl], d16 * s_v[sl])
        cs = plsc.cumsum(v)
        kbuf_v[pl.ds(0, LANES)] = k
        k_next = plsc.load_gather(kbuf_v, [lanes_iota + 1])
        last = k != k_next
        plsc.addupdate_scatter(acc_v, [k], cs, mask=last)
        plsc.addupdate_scatter(acc_v, [k_next], -cs,
                               mask=last & (lanes_iota < LANES - 1))

    pltpu.sync_copy(acc_v, shared_acc.at[s])
    plsc.subcore_barrier()
    nbase = s * nslice
    pltpu.sync_copy(shared_acc.at[:, pl.ds(nbase, nslice)], tmp_v)

    @pl.loop(0, nslice // LANES, unroll=4)
    def _acc(j):
        sl = pl.ds(j * LANES, LANES)
        tot = tmp_v[0, sl]
        for t in range(1, NS):
            tot = tot + tmp_v[t, sl]
        red_v[sl] = tot

    pltpu.sync_copy(red_v, part_hbm.at[c, pl.ds(nbase, nslice)])


def _sc_scatter(s_flat, src, dst, dist, zeros, n_pad):
    e = s_flat.shape[0]
    n = dist.shape[0]
    ec = e // (NC * NS)
    nslice = n_pad // NS
    mesh = plsc.VectorSubcoreMesh(core_axis_name="c", subcore_axis_name="s",
                                  num_cores=NC, num_subcores=NS)
    import functools
    body = functools.partial(_sc_scatter_body, n_pad, ec)
    return pl.kernel(
        body,
        out_type=jax.ShapeDtypeStruct((NC, n_pad), jnp.float32),
        mesh=mesh,
        compiler_params=pltpu.CompilerParams(needs_layout_passes=False),
        scratch_types=[
            pltpu.VMEM((ec,), jnp.float32),
            pltpu.VMEM((ec,), jnp.int32),
            pltpu.VMEM((ec,), jnp.int32),
            pltpu.VMEM((n,), jnp.float32),
            pltpu.VMEM((n_pad,), jnp.float32),
            pltpu.VMEM((NS, nslice), jnp.float32),
            pltpu.VMEM((nslice,), jnp.float32),
            pltpu.VMEM((2 * LANES,), jnp.int32),
            pltpu.VMEM_SHARED((NS, n_pad), jnp.float32),
            pltpu.SemaphoreType.DMA,
        ],
    )(s_flat, src, dst, dist, zeros)


def _final_body(part_ref, xs_ref, nic_ref, nir_ref, rel_ref, out_ref):
    n_pad = part_ref.shape[1]
    b = rel_ref.shape[1]
    red = part_ref[0:1, :] + part_ref[1:2, :]
    er = jnp.exp(red)
    es = jnp.exp(xs_ref[...])
    nic = nic_ref[...]
    nir = nir_ref[...]
    onehot = (nic == lax.broadcasted_iota(jnp.int32, (n_pad, b), 1))
    onehot = onehot.astype(jnp.float32)
    onehot_t = (nir == lax.broadcasted_iota(jnp.int32, (b, n_pad), 0))
    onehot_t = onehot_t.astype(jnp.float32)
    s_r = _split_dot(er, onehot)
    s_s = _split_dot(es, onehot)
    srn = jnp.maximum(_split_dot(s_r, onehot_t), 1e-30)
    ssn = jnp.maximum(_split_dot(s_s, onehot_t), 1e-30)
    rsn = _split_dot(rel_ref[...], onehot_t)
    out_ref[...] = rsn * er / srn + (1.0 - rsn) * es / ssn


def _final_combine(part, xs_row, ni_pad, rel_row):
    n_pad = xs_row.shape[1]
    b = rel_row.shape[1]
    return pl.pallas_call(
        _final_body,
        grid=(1,),
        in_specs=[
            pl.BlockSpec((2, n_pad), lambda i: (0, 0)),
            pl.BlockSpec((1, n_pad), lambda i: (0, 0)),
            pl.BlockSpec((n_pad, 1), lambda i: (0, 0)),
            pl.BlockSpec((1, n_pad), lambda i: (0, 0)),
            pl.BlockSpec((1, b), lambda i: (0, 0)),
        ],
        out_specs=pl.BlockSpec((1, n_pad), lambda i: (0, 0)),
        out_shape=jax.ShapeDtypeStruct((1, n_pad), jnp.float32),
    )(part, xs_row, ni_pad.reshape(n_pad, 1), ni_pad.reshape(1, n_pad),
      rel_row)


def kernel(node_attrs, edge_attrs, instruction_batch, distribution,
           node_prop_similarities, relation_similarity,
           W_props, W_edge, w_node_score, w_rel_score,
           edge_indices, node_indices, edge_batch_indices):
    n, _, h = node_attrs.shape
    e = edge_attrs.shape[0]
    b = instruction_batch.shape[0]
    n_pad = -(-n // (NS * LANES * 2)) * (NS * LANES * 2)

    s_edge = _edge_scores(edge_attrs, instruction_batch, W_edge,
                          w_rel_score, edge_batch_indices)
    x_state = _node_scores(node_attrs, instruction_batch,
                           node_prop_similarities, W_props, w_node_score,
                           node_indices)

    zeros = jnp.zeros((n_pad,), jnp.float32)
    part = _sc_scatter(s_edge.reshape(e), edge_indices[0], edge_indices[1],
                       distribution, zeros, n_pad)

    xs_row = jnp.pad(x_state.reshape(1, n), ((0, 0), (0, n_pad - n)))
    ni_pad = jnp.pad(node_indices, (0, n_pad - n), constant_values=b)
    out = _final_combine(part, xs_row, ni_pad,
                         relation_similarity.reshape(1, b))
    return out.reshape(n_pad)[:n]

# --- scband reference (transcript-rebuilt; emitter-appended) ---
"""Pipeline reference for scband-nsmcell-8727373545989 (READ-ONLY COPY).

The authoritative reference and input builder live on the scoring server;
editing this copy changes nothing except your own understanding.
"""

import jax, jax.numpy as jnp
import numpy as np

N, E, H, P, B = 10000, 320000, 128, 8, 64


def _scatter_softmax(x, seg, num_segments):
    m = jax.ops.segment_max(x, seg, num_segments=num_segments)
    m = jnp.where(jnp.isfinite(m), m, 0.0)
    e = jnp.exp(x - jax.lax.stop_gradient(m)[seg])
    s = jax.ops.segment_sum(e, seg, num_segments=num_segments)
    return e / s[seg]


def setup_inputs(seed: int = 0) -> dict:
    key = jax.random.key(seed)
    ks = jax.random.split(key, 13)
    node_attrs = jax.random.normal(ks[0], (N, P, H), dtype=jnp.float32) * 0.1
    edge_indices = jax.random.randint(ks[1], (2, E), 0, N, dtype=jnp.int32)
    edge_attrs = jax.random.normal(ks[2], (E, H), dtype=jnp.float32) * 0.1
    node_indices = jnp.sort(jax.random.randint(ks[3], (N,), 0, B, dtype=jnp.int32))
    edge_batch_indices = jnp.sort(jax.random.randint(ks[4], (E,), 0, B, dtype=jnp.int32))
    instruction_batch = jax.random.normal(ks[5], (B, H), dtype=jnp.float32) * 0.1
    distribution = jax.random.uniform(ks[6], (N,), dtype=jnp.float32)
    distribution = distribution / jnp.sum(distribution)
    node_prop_similarities = jax.random.uniform(ks[7], (B, P), dtype=jnp.float32)
    relation_similarity = jax.random.uniform(ks[8], (B,), dtype=jnp.float32)
    W_props = jax.random.uniform(ks[9], (P, H, H), dtype=jnp.float32)
    W_edge = jax.random.uniform(ks[10], (H, H), dtype=jnp.float32)
    w_node_score = jax.random.uniform(ks[11], (H,), dtype=jnp.float32)
    w_rel_score = jax.random.uniform(ks[12], (H,), dtype=jnp.float32)
    return {
        'node_attrs': node_attrs,
        'edge_attrs': edge_attrs,
        'instruction_batch': instruction_batch,
        'distribution': distribution,
        'node_prop_similarities': node_prop_similarities,
        'relation_similarity': relation_similarity,
        'W_props': W_props,
        'W_edge': W_edge,
        'w_node_score': w_node_score,
        'w_rel_score': w_rel_score,
        'edge_indices': edge_indices,
        'node_indices': node_indices,
        'edge_batch_indices': edge_batch_indices,
    }


def reference(node_attrs, edge_attrs, instruction_batch, distribution,
              node_prop_similarities, relation_similarity,
              W_props, W_edge, w_node_score, w_rel_score,
              edge_indices, node_indices, edge_batch_indices):
    n = node_attrs.shape[0]
    b = node_prop_similarities.shape[0]
    # node scores: P x N x 1  *  N x H  *  P x N x H  ->  P x N x H, batched matmul with P x H x H, sum over P
    a = node_prop_similarities.T[:, node_indices, None]          # P x N x 1
    ib = instruction_batch[node_indices]                          # N x H
    c = jnp.transpose(node_attrs, (1, 0, 2))                      # P x N x H
    prod = a * ib * c                                             # P x N x H
    node_scores = jax.nn.elu(jnp.einsum('pnh,phk->pnk', prod, W_props).sum(axis=0))  # N x H
    # edge scores
    edge_scores = jax.nn.elu((instruction_batch[edge_batch_indices] * edge_attrs) @ W_edge)  # E x H
    # per-graph softmax over node state scores
    next_distribution_states = _scatter_softmax(node_scores @ w_node_score, node_indices, b)
    # message passing: weight edge scores by source distribution, scatter-add to dst nodes
    agg = jax.ops.segment_sum(distribution[edge_indices[0], None] * edge_scores,
                              edge_indices[1], num_segments=n)    # N x H
    next_distribution_relations = _scatter_softmax(agg @ w_rel_score, node_indices, b)
    rs = relation_similarity[node_indices]
    next_distribution = rs * next_distribution_relations + (1 - rs) * next_distribution_states
    return next_distribution

if __name__ == "__main__":
    import jax
    _d = setup_inputs()
    print(jax.jit(kernel)(*tuple(_d.values())))

</pallas_src>

<mosaic_0001>
#map = affine_map<(d0, d1) -> (0)>
#map1 = affine_map<(d0, d1) -> (0, 0)>
module attributes {stable_mosaic.version = 14 : i64} {
  func.func @_sc_scatter_body(%arg0: i32, %arg1: i32, %arg2: memref<320000xf32, #tpu.memory_space<hbm>>, %arg3: memref<320000xi32, #tpu.memory_space<hbm>>, %arg4: memref<320000xi32, #tpu.memory_space<hbm>>, %arg5: memref<10000xf32, #tpu.memory_space<hbm>>, %arg6: memref<10240xf32, #tpu.memory_space<hbm>>, %arg7: memref<2x10240xf32, #tpu.memory_space<hbm>>, %arg8: memref<10000xf32, #tpu.memory_space<vmem>>, %arg9: memref<10000xi32, #tpu.memory_space<vmem>>, %arg10: memref<10000xi32, #tpu.memory_space<vmem>>, %arg11: memref<10000xf32, #tpu.memory_space<vmem>>, %arg12: memref<10240xf32, #tpu.memory_space<vmem>>, %arg13: memref<16x640xf32, #tpu.memory_space<vmem>>, %arg14: memref<640xf32, #tpu.memory_space<vmem>>, %arg15: memref<32xi32, #tpu.memory_space<vmem>>, %arg16: memref<16x10240xf32, #tpu.memory_space<vmem_shared>>, %arg17: memref<!tpu.dma_semaphore, #tpu.memory_space<semaphore_mem>>) attributes {dimension_semantics = [#tpu.dimension_semantics<core_parallel>, #tpu.dimension_semantics<subcore_parallel>], iteration_bounds = array<i64: 2, 16>, scalar_prefetch = 0 : i64, scratch_operands = 10 : i64, tpu.core_type = #tpu.core_type<sc_vector_subcore>, window_params = [{transform_indices = #map}, {transform_indices = #map}, {transform_indices = #map}, {transform_indices = #map}, {transform_indices = #map}, {transform_indices = #map1}]} {
    %mul3A = arith.constant 16 : i32
    %mul3A_0 = arith.muli %arg0, %mul3A : i32
    %add3A = arith.addi %mul3A_0, %arg1 : i32
    %mul3A_1 = arith.constant 10000 : i32
    %mul3A_2 = arith.muli %add3A, %mul3A_1 : i32
    %dma_start3A = tpu.memref_slice %arg2[%mul3A_2] : memref<320000xf32, #tpu.memory_space<hbm>> -> memref<10000xf32, #tpu.memory_space<hbm>>
    %dma_start3A_3 = tpu.memref_slice %arg2[%mul3A_2] : memref<320000xf32, #tpu.memory_space<hbm>> -> memref<10000xf32, #tpu.memory_space<hbm>>
    tpu.enqueue_dma source(%dma_start3A_3 : memref<10000xf32, #tpu.memory_space<hbm>>) target(%arg8 : memref<10000xf32, #tpu.memory_space<vmem>>) target_semaphore(%arg17 : memref<!tpu.dma_semaphore, #tpu.memory_space<semaphore_mem>>)
    %dma_start3A_4 = tpu.memref_slice %arg3[%mul3A_2] : memref<320000xi32, #tpu.memory_space<hbm>> -> memref<10000xi32, #tpu.memory_space<hbm>>
    %dma_start3A_5 = tpu.memref_slice %arg3[%mul3A_2] : memref<320000xi32, #tpu.memory_space<hbm>> -> memref<10000xi32, #tpu.memory_space<hbm>>
    tpu.enqueue_dma source(%dma_start3A_5 : memref<10000xi32, #tpu.memory_space<hbm>>) target(%arg9 : memref<10000xi32, #tpu.memory_space<vmem>>) target_semaphore(%arg17 : memref<!tpu.dma_semaphore, #tpu.memory_space<semaphore_mem>>)
    %dma_start3A_6 = tpu.memref_slice %arg4[%mul3A_2] : memref<320000xi32, #tpu.memory_space<hbm>> -> memref<10000xi32, #tpu.memory_space<hbm>>
    %dma_start3A_7 = tpu.memref_slice %arg4[%mul3A_2] : memref<320000xi32, #tpu.memory_space<hbm>> -> memref<10000xi32, #tpu.memory_space<hbm>>
    tpu.enqueue_dma source(%dma_start3A_7 : memref<10000xi32, #tpu.memory_space<hbm>>) target(%arg10 : memref<10000xi32, #tpu.memory_space<vmem>>) target_semaphore(%arg17 : memref<!tpu.dma_semaphore, #tpu.memory_space<semaphore_mem>>)
    tpu.enqueue_dma source(%arg5 : memref<10000xf32, #tpu.memory_space<hbm>>) target(%arg11 : memref<10000xf32, #tpu.memory_space<vmem>>) target_semaphore(%arg17 : memref<!tpu.dma_semaphore, #tpu.memory_space<semaphore_mem>>)
    tpu.enqueue_dma source(%arg6 : memref<10240xf32, #tpu.memory_space<hbm>>) target(%arg12 : memref<10240xf32, #tpu.memory_space<vmem>>) target_semaphore(%arg17 : memref<!tpu.dma_semaphore, #tpu.memory_space<semaphore_mem>>)
    %dma_wait3A = tpu.memref_slice %arg2[%mul3A_2] : memref<320000xf32, #tpu.memory_space<hbm>> -> memref<10000xf32, #tpu.memory_space<hbm>>
    %dma_wait3A_8 = tpu.memref_slice %arg2[%mul3A_2] : memref<320000xf32, #tpu.memory_space<hbm>> -> memref<10000xf32, #tpu.memory_space<hbm>>
    tpu.wait_dma2 semaphore(%arg17 : memref<!tpu.dma_semaphore, #tpu.memory_space<semaphore_mem>>) src(%dma_wait3A_8 : memref<10000xf32, #tpu.memory_space<hbm>>) dst(%arg8 : memref<10000xf32, #tpu.memory_space<vmem>>)
    %dma_wait3A_9 = tpu.memref_slice %arg3[%mul3A_2] : memref<320000xi32, #tpu.memory_space<hbm>> -> memref<10000xi32, #tpu.memory_space<hbm>>
    %dma_wait3A_10 = tpu.memref_slice %arg3[%mul3A_2] : memref<320000xi32, #tpu.memory_space<hbm>> -> memref<10000xi32, #tpu.memory_space<hbm>>
    tpu.wait_dma2 semaphore(%arg17 : memref<!tpu.dma_semaphore, #tpu.memory_space<semaphore_mem>>) src(%dma_wait3A_10 : memref<10000xi32, #tpu.memory_space<hbm>>) dst(%arg9 : memref<10000xi32, #tpu.memory_space<vmem>>)
    %dma_wait3A_11 = tpu.memref_slice %arg4[%mul3A_2] : memref<320000xi32, #tpu.memory_space<hbm>> -> memref<10000xi32, #tpu.memory_space<hbm>>
    %dma_wait3A_12 = tpu.memref_slice %arg4[%mul3A_2] : memref<320000xi32, #tpu.memory_space<hbm>> -> memref<10000xi32, #tpu.memory_space<hbm>>
    tpu.wait_dma2 semaphore(%arg17 : memref<!tpu.dma_semaphore, #tpu.memory_space<semaphore_mem>>) src(%dma_wait3A_12 : memref<10000xi32, #tpu.memory_space<hbm>>) dst(%arg10 : memref<10000xi32, #tpu.memory_space<vmem>>)
    tpu.wait_dma2 semaphore(%arg17 : memref<!tpu.dma_semaphore, #tpu.memory_space<semaphore_mem>>) src(%arg5 : memref<10000xf32, #tpu.memory_space<hbm>>) dst(%arg11 : memref<10000xf32, #tpu.memory_space<vmem>>)
    tpu.wait_dma2 semaphore(%arg17 : memref<!tpu.dma_semaphore, #tpu.memory_space<semaphore_mem>>) src(%arg6 : memref<10240xf32, #tpu.memory_space<hbm>>) dst(%arg12 : memref<10240xf32, #tpu.memory_space<vmem>>)
    %iota3A = tpu.iota {dimensions = array<i32: 0>} : vector<16xi32>
    %broadcast_in_dim3A = arith.constant -1 : i32
    %broadcast_in_dim3A_13 = vector.broadcast %broadcast_in_dim3A : i32 to vector<16xi32>
    %swap3A = arith.constant 16 : index
    %swap3A_14 = tpu.vector_load %arg15[%swap3A] {strides = array<i32>} : memref<32xi32, #tpu.memory_space<vmem>>, vector<16xi32>,
    tpu.vector_store %arg15[%swap3A], %broadcast_in_dim3A_13 {strides = array<i32>} : memref<32xi32, #tpu.memory_space<vmem>>, vector<16xi32>,
    %scan3A = arith.constant 0 : i32
    %scan3A_15 = arith.constant 624 : i32
    %scan3A_16 = arith.addi %scan3A, %scan3A_15 : i32
    %scan3A_17 = arith.constant 4 : i32
    scf.for %scan3A_59 = %scan3A to %scan3A_16 step %scan3A_17  : i32 {
      %mul3A_60 = arith.constant 1 : i32
      %mul3A_61 = arith.muli %scan3A_59, %mul3A_60 : i32
      %add3A_62 = arith.constant 0 : i32
      %add3A_63 = arith.addi %add3A_62, %mul3A_61 : i32
      %mul3A_64 = arith.constant 16 : i32
      %mul3A_65 = arith.muli %add3A_63, %mul3A_64 : i32
      %get3A_66 = arith.index_cast %mul3A_65 : i32 to index
      %get3A_67 = tpu.vector_load %arg9[%get3A_66] {strides = array<i32>} : memref<10000xi32, #tpu.memory_space<vmem>>, vector<16xi32>,
      %gather3A_68 = tpu.vector_load_idx %arg11[%get3A_67] : memref<10000xf32, #tpu.memory_space<vmem>>[vector<16xi32>], vector<16xf32>,
      %get3A_69 = arith.index_cast %mul3A_65 : i32 to index
      %get3A_70 = tpu.vector_load %arg10[%get3A_69] {strides = array<i32>} : memref<10000xi32, #tpu.memory_space<vmem>>, vector<16xi32>,
      %get3A_71 = arith.index_cast %mul3A_65 : i32 to index
      %get3A_72 = tpu.vector_load %arg8[%get3A_71] {strides = array<i32>} : memref<10000xf32, #tpu.memory_space<vmem>>, vector<16xf32>,
      %mul3A_73 = arith.mulf %gather3A_68, %get3A_72 : vector<16xf32>
      %masked_sort3A_74 = arith.constant dense<true> : vector<16xi1>
      %masked_sort3A_75 = arith.constant -2147483648 : i32
      %masked_sort3A_76 = vector.broadcast %masked_sort3A_75 : i32 to vector<16xi32>
      %masked_sort3A_77 = arith.xori %get3A_70, %masked_sort3A_76 : vector<16xi32>
      %masked_sort3A_78, %masked_sort3A_79, %masked_sort3A_80 = tpu.sort %masked_sort3A_77, %mul3A_73 masked %masked_sort3A_74 : (vector<16xi32>, vector<16xf32>, vector<16xi1>) -> (vector<16xi1>, vector<16xi32>, vector<16xf32>)
      %masked_sort3A_81 = arith.xori %masked_sort3A_79, %masked_sort3A_76 : vector<16xi32>
      %broadcast_in_dim3A_82 = arith.constant true
      %broadcast_in_dim3A_83 = vector.broadcast %broadcast_in_dim3A_82 : i1 to vector<16xi1>
      %masked_cumsum3A_84 = tpu.scan <sum>, %masked_sort3A_80 masked %broadcast_in_dim3A_83 : vector<16xf32>, vector<16xi1> -> vector<16xf32>
      %swap3A_85 = arith.constant 0 : index
      %swap3A_86 = tpu.vector_load %arg15[%swap3A_85] {strides = array<i32>} : memref<32xi32, #tpu.memory_space<vmem>>, vector<16xi32>,
      tpu.vector_store %arg15[%swap3A_85], %masked_sort3A_81 {strides = array<i32>} : memref<32xi32, #tpu.memory_space<vmem>>, vector<16xi32>,
      %add3A_87 = arith.constant 1 : i32
      %add3A_88 = vector.broadcast %add3A_87 : i32 to vector<16xi32>
      %add3A_89 = arith.addi %iota3A, %add3A_88 : vector<16xi32>
      %gather3A_90 = tpu.vector_load_idx %arg15[%add3A_89] : memref<32xi32, #tpu.memory_space<vmem>>[vector<16xi32>], vector<16xi32>,
      %ne3A_91 = arith.cmpi ne, %masked_sort3A_81, %gather3A_90 : vector<16xi32>
      tpu.vector_store_idx %arg12[%masked_sort3A_81], %masked_cumsum3A_84 masked %ne3A_91 {add = true} : memref<10240xf32, #tpu.memory_space<vmem>>[vector<16xi32>], vector<16xf32>, vector<16xi1>
      %neg3A_92 = arith.constant 0.000000e+00 : f32
      %neg3A_93 = vector.broadcast %neg3A_92 : f32 to vector<16xf32>
      %neg3A_94 = arith.subf %neg3A_93, %masked_cumsum3A_84 : vector<16xf32>
      %lt3A_95 = arith.constant 15 : i32
      %lt3A_96 = vector.broadcast %lt3A_95 : i32 to vector<16xi32>
      %lt3A_97 = arith.cmpi slt, %iota3A, %lt3A_96 : vector<16xi32>
      %and3A_98 = arith.andi %ne3A_91, %lt3A_97 : vector<16xi1>
      tpu.vector_store_idx %arg12[%gather3A_90], %neg3A_94 masked %and3A_98 {add = true} : memref<10240xf32, #tpu.memory_space<vmem>>[vector<16xi32>], vector<16xf32>, vector<16xi1>
      %scan3A_99 = arith.constant 1 : i32
      %scan3A_100 = arith.addi %scan3A_59, %scan3A_99 : i32
      %mul3A_101 = arith.constant 1 : i32
      %mul3A_102 = arith.muli %scan3A_100, %mul3A_101 : i32
      %add3A_103 = arith.constant 0 : i32
      %add3A_104 = arith.addi %add3A_103, %mul3A_102 : i32
      %mul3A_105 = arith.constant 16 : i32
      %mul3A_106 = arith.muli %add3A_104, %mul3A_105 : i32
      %get3A_107 = arith.index_cast %mul3A_106 : i32 to index
      %get3A_108 = tpu.vector_load %arg9[%get3A_107] {strides = array<i32>} : memref<10000xi32, #tpu.memory_space<vmem>>, vector<16xi32>,
      %gather3A_109 = tpu.vector_load_idx %arg11[%get3A_108] : memref<10000xf32, #tpu.memory_space<vmem>>[vector<16xi32>], vector<16xf32>,
      %get3A_110 = arith.index_cast %mul3A_106 : i32 to index
      %get3A_111 = tpu.vector_load %arg10[%get3A_110] {strides = array<i32>} : memref<10000xi32, #tpu.memory_space<vmem>>, vector<16xi32>,
      %get3A_112 = arith.index_cast %mul3A_106 : i32 to index
      %get3A_113 = tpu.vector_load %arg8[%get3A_112] {strides = array<i32>} : memref<10000xf32, #tpu.memory_space<vmem>>, vector<16xf32>,
      %mul3A_114 = arith.mulf %gather3A_109, %get3A_113 : vector<16xf32>
      %masked_sort3A_115 = arith.constant dense<true> : vector<16xi1>
      %masked_sort3A_116 = arith.constant -2147483648 : i32
      %masked_sort3A_117 = vector.broadcast %masked_sort3A_116 : i32 to vector<16xi32>
      %masked_sort3A_118 = arith.xori %get3A_111, %masked_sort3A_117 : vector<16xi32>
      %masked_sort3A_119, %masked_sort3A_120, %masked_sort3A_121 = tpu.sort %masked_sort3A_118, %mul3A_114 masked %masked_sort3A_115 : (vector<16xi32>, vector<16xf32>, vector<16xi1>) -> (vector<16xi1>, vector<16xi32>, vector<16xf32>)
      %masked_sort3A_122 = arith.xori %masked_sort3A_120, %masked_sort3A_117 : vector<16xi32>
      %broadcast_in_dim3A_123 = arith.constant true
      %broadcast_in_dim3A_124 = vector.broadcast %broadcast_in_dim3A_123 : i1 to vector<16xi1>
      %masked_cumsum3A_125 = tpu.scan <sum>, %masked_sort3A_121 masked %broadcast_in_dim3A_124 : vector<16xf32>, vector<16xi1> -> vector<16xf32>
      %swap3A_126 = arith.constant 0 : index
      %swap3A_127 = tpu.vector_load %arg15[%swap3A_126] {strides = array<i32>} : memref<32xi32, #tpu.memory_space<vmem>>, vector<16xi32>,
      tpu.vector_store %arg15[%swap3A_126], %masked_sort3A_122 {strides = array<i32>} : memref<32xi32, #tpu.memory_space<vmem>>, vector<16xi32>,
      %add3A_128 = arith.constant 1 : i32
      %add3A_129 = vector.broadcast %add3A_128 : i32 to vector<16xi32>
      %add3A_130 = arith.addi %iota3A, %add3A_129 : vector<16xi32>
      %gather3A_131 = tpu.vector_load_idx %arg15[%add3A_130] : memref<32xi32, #tpu.memory_space<vmem>>[vector<16xi32>], vector<16xi32>,
      %ne3A_132 = arith.cmpi ne, %masked_sort3A_122, %gather3A_131 : vector<16xi32>
      tpu.vector_store_idx %arg12[%masked_sort3A_122], %masked_cumsum3A_125 masked %ne3A_132 {add = true} : memref<10240xf32, #tpu.memory_space<vmem>>[vector<16xi32>], vector<16xf32>, vector<16xi1>
      %neg3A_133 = arith.constant 0.000000e+00 : f32
      %neg3A_134 = vector.broadcast %neg3A_133 : f32 to vector<16xf32>
      %neg3A_135 = arith.subf %neg3A_134, %masked_cumsum3A_125 : vector<16xf32>
      %lt3A_136 = arith.constant 15 : i32
      %lt3A_137 = vector.broadcast %lt3A_136 : i32 to vector<16xi32>
      %lt3A_138 = arith.cmpi slt, %iota3A, %lt3A_137 : vector<16xi32>
      %and3A_139 = arith.andi %ne3A_132, %lt3A_138 : vector<16xi1>
      tpu.vector_store_idx %arg12[%gather3A_131], %neg3A_135 masked %and3A_139 {add = true} : memref<10240xf32, #tpu.memory_space<vmem>>[vector<16xi32>], vector<16xf32>, vector<16xi1>
      %scan3A_140 = arith.constant 2 : i32
      %scan3A_141 = arith.addi %scan3A_59, %scan3A_140 : i32
      %mul3A_142 = arith.constant 1 : i32
      %mul3A_143 = arith.muli %scan3A_141, %mul3A_142 : i32
      %add3A_144 = arith.constant 0 : i32
      %add3A_145 = arith.addi %add3A_144, %mul3A_143 : i32
      %mul3A_146 = arith.constant 16 : i32
      %mul3A_147 = arith.muli %add3A_145, %mul3A_146 : i32
      %get3A_148 = arith.index_cast %mul3A_147 : i32 to index
      %get3A_149 = tpu.vector_load %arg9[%get3A_148] {strides = array<i32>} : memref<10000xi32, #tpu.memory_space<vmem>>, vector<16xi32>,
      %gather3A_150 = tpu.vector_load_idx %arg11[%get3A_149] : memref<10000xf32, #tpu.memory_space<vmem>>[vector<16xi32>], vector<16xf32>,
      %get3A_151 = arith.index_cast %mul3A_147 : i32 to index
      %get3A_152 = tpu.vector_load %arg10[%get3A_151] {strides = array<i32>} : memref<10000xi32, #tpu.memory_space<vmem>>, vector<16xi32>,
      %get3A_153 = arith.index_cast %mul3A_147 : i32 to index
      %get3A_154 = tpu.vector_load %arg8[%get3A_153] {strides = array<i32>} : memref<10000xf32, #tpu.memory_space<vmem>>, vector<16xf32>,
      %mul3A_155 = arith.mulf %gather3A_150, %get3A_154 : vector<16xf32>
      %masked_sort3A_156 = arith.constant dense<true> : vector<16xi1>
      %masked_sort3A_157 = arith.constant -2147483648 : i32
      %masked_sort3A_158 = vector.broadcast %masked_sort3A_157 : i32 to vector<16xi32>
      %masked_sort3A_159 = arith.xori %get3A_152, %masked_sort3A_158 : vector<16xi32>
      %masked_sort3A_160, %masked_sort3A_161, %masked_sort3A_162 = tpu.sort %masked_sort3A_159, %mul3A_155 masked %masked_sort3A_156 : (vector<16xi32>, vector<16xf32>, vector<16xi1>) -> (vector<16xi1>, vector<16xi32>, vector<16xf32>)
      %masked_sort3A_163 = arith.xori %masked_sort3A_161, %masked_sort3A_158 : vector<16xi32>
      %broadcast_in_dim3A_164 = arith.constant true
      %broadcast_in_dim3A_165 = vector.broadcast %broadcast_in_dim3A_164 : i1 to vector<16xi1>
      %masked_cumsum3A_166 = tpu.scan <sum>, %masked_sort3A_162 masked %broadcast_in_dim3A_165 : vector<16xf32>, vector<16xi1> -> vector<16xf32>
      %swap3A_167 = arith.constant 0 : index
      %swap3A_168 = tpu.vector_load %arg15[%swap3A_167] {strides = array<i32>} : memref<32xi32, #tpu.memory_space<vmem>>, vector<16xi32>,
      tpu.vector_store %arg15[%swap3A_167], %masked_sort3A_163 {strides = array<i32>} : memref<32xi32, #tpu.memory_space<vmem>>, vector<16xi32>,
      %add3A_169 = arith.constant 1 : i32
      %add3A_170 = vector.broadcast %add3A_169 : i32 to vector<16xi32>
      %add3A_171 = arith.addi %iota3A, %add3A_170 : vector<16xi32>
      %gather3A_172 = tpu.vector_load_idx %arg15[%add3A_171] : memref<32xi32, #tpu.memory_space<vmem>>[vector<16xi32>], vector<16xi32>,
      %ne3A_173 = arith.cmpi ne, %masked_sort3A_163, %gather3A_172 : vector<16xi32>
      tpu.vector_store_idx %arg12[%masked_sort3A_163], %masked_cumsum3A_166 masked %ne3A_173 {add = true} : memref<10240xf32, #tpu.memory_space<vmem>>[vector<16xi32>], vector<16xf32>, vector<16xi1>
      %neg3A_174 = arith.constant 0.000000e+00 : f32
      %neg3A_175 = vector.broadcast %neg3A_174 : f32 to vector<16xf32>
      %neg3A_176 = arith.subf %neg3A_175, %masked_cumsum3A_166 : vector<16xf32>
      %lt3A_177 = arith.constant 15 : i32
      %lt3A_178 = vector.broadcast %lt3A_177 : i32 to vector<16xi32>
      %lt3A_179 = arith.cmpi slt, %iota3A, %lt3A_178 : vector<16xi32>
      %and3A_180 = arith.andi %ne3A_173, %lt3A_179 : vector<16xi1>
      tpu.vector_store_idx %arg12[%gather3A_172], %neg3A_176 masked %and3A_180 {add = true} : memref<10240xf32, #tpu.memory_space<vmem>>[vector<16xi32>], vector<16xf32>, vector<16xi1>
      %scan3A_181 = arith.constant 3 : i32
      %scan3A_182 = arith.addi %scan3A_59, %scan3A_181 : i32
      %mul3A_183 = arith.constant 1 : i32
      %mul3A_184 = arith.muli %scan3A_182, %mul3A_183 : i32
      %add3A_185 = arith.constant 0 : i32
      %add3A_186 = arith.addi %add3A_185, %mul3A_184 : i32
      %mul3A_187 = arith.constant 16 : i32
      %mul3A_188 = arith.muli %add3A_186, %mul3A_187 : i32
      %get3A_189 = arith.index_cast %mul3A_188 : i32 to index
      %get3A_190 = tpu.vector_load %arg9[%get3A_189] {strides = array<i32>} : memref<10000xi32, #tpu.memory_space<vmem>>, vector<16xi32>,
      %gather3A_191 = tpu.vector_load_idx %arg11[%get3A_190] : memref<10000xf32, #tpu.memory_space<vmem>>[vector<16xi32>], vector<16xf32>,
      %get3A_192 = arith.index_cast %mul3A_188 : i32 to index
      %get3A_193 = tpu.vector_load %arg10[%get3A_192] {strides = array<i32>} : memref<10000xi32, #tpu.memory_space<vmem>>, vector<16xi32>,
      %get3A_194 = arith.index_cast %mul3A_188 : i32 to index
      %get3A_195 = tpu.vector_load %arg8[%get3A_194] {strides = array<i32>} : memref<10000xf32, #tpu.memory_space<vmem>>, vector<16xf32>,
      %mul3A_196 = arith.mulf %gather3A_191, %get3A_195 : vector<16xf32>
      %masked_sort3A_197 = arith.constant dense<true> : vector<16xi1>
      %masked_sort3A_198 = arith.constant -2147483648 : i32
      %masked_sort3A_199 = vector.broadcast %masked_sort3A_198 : i32 to vector<16xi32>
      %masked_sort3A_200 = arith.xori %get3A_193, %masked_sort3A_199 : vector<16xi32>
      %masked_sort3A_201, %masked_sort3A_202, %masked_sort3A_203 = tpu.sort %masked_sort3A_200, %mul3A_196 masked %masked_sort3A_197 : (vector<16xi32>, vector<16xf32>, vector<16xi1>) -> (vector<16xi1>, vector<16xi32>, vector<16xf32>)
      %masked_sort3A_204 = arith.xori %masked_sort3A_202, %masked_sort3A_199 : vector<16xi32>
      %broadcast_in_dim3A_205 = arith.constant true
      %broadcast_in_dim3A_206 = vector.broadcast %broadcast_in_dim3A_205 : i1 to vector<16xi1>
      %masked_cumsum3A_207 = tpu.scan <sum>, %masked_sort3A_203 masked %broadcast_in_dim3A_206 : vector<16xf32>, vector<16xi1> -> vector<16xf32>
      %swap3A_208 = arith.constant 0 : index
      %swap3A_209 = tpu.vector_load %arg15[%swap3A_208] {strides = array<i32>} : memref<32xi32, #tpu.memory_space<vmem>>, vector<16xi32>,
      tpu.vector_store %arg15[%swap3A_208], %masked_sort3A_204 {strides = array<i32>} : memref<32xi32, #tpu.memory_space<vmem>>, vector<16xi32>,
      %add3A_210 = arith.constant 1 : i32
      %add3A_211 = vector.broadcast %add3A_210 : i32 to vector<16xi32>
      %add3A_212 = arith.addi %iota3A, %add3A_211 : vector<16xi32>
      %gather3A_213 = tpu.vector_load_idx %arg15[%add3A_212] : memref<32xi32, #tpu.memory_space<vmem>>[vector<16xi32>], vector<16xi32>,
      %ne3A_214 = arith.cmpi ne, %masked_sort3A_204, %gather3A_213 : vector<16xi32>
      tpu.vector_store_idx %arg12[%masked_sort3A_204], %masked_cumsum3A_207 masked %ne3A_214 {add = true} : memref<10240xf32, #tpu.memory_space<vmem>>[vector<16xi32>], vector<16xf32>, vector<16xi1>
      %neg3A_215 = arith.constant 0.000000e+00 : f32
      %neg3A_216 = vector.broadcast %neg3A_215 : f32 to vector<16xf32>
      %neg3A_217 = arith.subf %neg3A_216, %masked_cumsum3A_207 : vector<16xf32>
      %lt3A_218 = arith.constant 15 : i32
      %lt3A_219 = vector.broadcast %lt3A_218 : i32 to vector<16xi32>
      %lt3A_220 = arith.cmpi slt, %iota3A, %lt3A_219 : vector<16xi32>
      %and3A_221 = arith.andi %ne3A_214, %lt3A_220 : vector<16xi1>
      tpu.vector_store_idx %arg12[%gather3A_213], %neg3A_217 masked %and3A_221 {add = true} : memref<10240xf32, #tpu.memory_space<vmem>>[vector<16xi32>], vector<16xf32>, vector<16xi1>
    }
    %scan3A_18 = arith.constant 624 : i32
    %scan3A_19 = arith.addi %scan3A, %scan3A_18 : i32
    %mul3A_20 = arith.constant 1 : i32
    %mul3A_21 = arith.muli %scan3A_19, %mul3A_20 : i32
    %add3A_22 = arith.constant 0 : i32
    %add3A_23 = arith.addi %add3A_22, %mul3A_21 : i32
    %mul3A_24 = arith.constant 16 : i32
    %mul3A_25 = arith.muli %add3A_23, %mul3A_24 : i32
    %get3A = arith.index_cast %mul3A_25 : i32 to index
    %get3A_26 = tpu.vector_load %arg9[%get3A] {strides = array<i32>} : memref<10000xi32, #tpu.memory_space<vmem>>, vector<16xi32>,
    %gather3A = tpu.vector_load_idx %arg11[%get3A_26] : memref<10000xf32, #tpu.memory_space<vmem>>[vector<16xi32>], vector<16xf32>,
    %get3A_27 = arith.index_cast %mul3A_25 : i32 to index
    %get3A_28 = tpu.vector_load %arg10[%get3A_27] {strides = array<i32>} : memref<10000xi32, #tpu.memory_space<vmem>>, vector<16xi32>,
    %get3A_29 = arith.index_cast %mul3A_25 : i32 to index
    %get3A_30 = tpu.vector_load %arg8[%get3A_29] {strides = array<i32>} : memref<10000xf32, #tpu.memory_space<vmem>>, vector<16xf32>,
    %mul3A_31 = arith.mulf %gather3A, %get3A_30 : vector<16xf32>
    %masked_sort3A = arith.constant dense<true> : vector<16xi1>
    %masked_sort3A_32 = arith.constant -2147483648 : i32
    %masked_sort3A_33 = vector.broadcast %masked_sort3A_32 : i32 to vector<16xi32>
    %masked_sort3A_34 = arith.xori %get3A_28, %masked_sort3A_33 : vector<16xi32>
    %masked_sort3A_35, %masked_sort3A_36, %masked_sort3A_37 = tpu.sort %masked_sort3A_34, %mul3A_31 masked %masked_sort3A : (vector<16xi32>, vector<16xf32>, vector<16xi1>) -> (vector<16xi1>, vector<16xi32>, vector<16xf32>)
    %masked_sort3A_38 = arith.xori %masked_sort3A_36, %masked_sort3A_33 : vector<16xi32>
    %broadcast_in_dim3A_39 = arith.constant true
    %broadcast_in_dim3A_40 = vector.broadcast %broadcast_in_dim3A_39 : i1 to vector<16xi1>
    %masked_cumsum3A = tpu.scan <sum>, %masked_sort3A_37 masked %broadcast_in_dim3A_40 : vector<16xf32>, vector<16xi1> -> vector<16xf32>
    %swap3A_41 = arith.constant 0 : index
    %swap3A_42 = tpu.vector_load %arg15[%swap3A_41] {strides = array<i32>} : memref<32xi32, #tpu.memory_space<vmem>>, vector<16xi32>,
    tpu.vector_store %arg15[%swap3A_41], %masked_sort3A_38 {strides = array<i32>} : memref<32xi32, #tpu.memory_space<vmem>>, vector<16xi32>,
    %add3A_43 = arith.constant 1 : i32
    %add3A_44 = vector.broadcast %add3A_43 : i32 to vector<16xi32>
    %add3A_45 = arith.addi %iota3A, %add3A_44 : vector<16xi32>
    %gather3A_46 = tpu.vector_load_idx %arg15[%add3A_45] : memref<32xi32, #tpu.memory_space<vmem>>[vector<16xi32>], vector<16xi32>,
    %ne3A = arith.cmpi ne, %masked_sort3A_38, %gather3A_46 : vector<16xi32>
    tpu.vector_store_idx %arg12[%masked_sort3A_38], %masked_cumsum3A masked %ne3A {add = true} : memref<10240xf32, #tpu.memory_space<vmem>>[vector<16xi32>], vector<16xf32>, vector<16xi1>
    %neg3A = arith.constant 0.000000e+00 : f32
    %neg3A_47 = vector.broadcast %neg3A : f32 to vector<16xf32>
    %neg3A_48 = arith.subf %neg3A_47, %masked_cumsum3A : vector<16xf32>
    %lt3A = arith.constant 15 : i32
    %lt3A_49 = vector.broadcast %lt3A : i32 to vector<16xi32>
    %lt3A_50 = arith.cmpi slt, %iota3A, %lt3A_49 : vector<16xi32>
    %and3A = arith.andi %ne3A, %lt3A_50 : vector<16xi1>
    tpu.vector_store_idx %arg12[%gather3A_46], %neg3A_48 masked %and3A {add = true} : memref<10240xf32, #tpu.memory_space<vmem>>[vector<16xi32>], vector<16xf32>, vector<16xi1>
    %scan3A_51 = arith.constant 625 : i32
    "tpu.region"() ({
      %run_scoped3A = tpu.sem_alloc : memref<!tpu.dma_semaphore, #tpu.memory_space<semaphore_mem>>
      %dma_start3A_59 = arith.constant 0 : i32
      %dma_start3A_60 = tpu.memref_slice %arg16[%arg1, %dma_start3A_59] : memref<16x10240xf32, #tpu.memory_space<vmem_shared>> -> memref<1x10240xf32, #tpu.memory_space<vmem_shared>>
      %dma_start3A_61 = tpu.memref_squeeze %dma_start3A_60 : memref<1x10240xf32, #tpu.memory_space<vmem_shared>> -> memref<10240xf32, #tpu.memory_space<vmem_shared>>
      %dma_start3A_62 = arith.constant 0 : i32
      %dma_start3A_63 = tpu.memref_slice %arg16[%arg1, %dma_start3A_62] : memref<16x10240xf32, #tpu.memory_space<vmem_shared>> -> memref<1x10240xf32, #tpu.memory_space<vmem_shared>>
      %dma_start3A_64 = tpu.memref_squeeze %dma_start3A_63 : memref<1x10240xf32, #tpu.memory_space<vmem_shared>> -> memref<10240xf32, #tpu.memory_space<vmem_shared>>
      tpu.enqueue_dma source(%arg12 : memref<10240xf32, #tpu.memory_space<vmem>>) target(%dma_start3A_64 : memref<10240xf32, #tpu.memory_space<vmem_shared>>) target_semaphore(%run_scoped3A : memref<!tpu.dma_semaphore, #tpu.memory_space<semaphore_mem>>)
      %dma_wait3A_65 = arith.constant 0 : i32
      %dma_wait3A_66 = tpu.memref_slice %arg16[%arg1, %dma_wait3A_65] : memref<16x10240xf32, #tpu.memory_space<vmem_shared>> -> memref<1x10240xf32, #tpu.memory_space<vmem_shared>>
      %dma_wait3A_67 = tpu.memref_squeeze %dma_wait3A_66 : memref<1x10240xf32, #tpu.memory_space<vmem_shared>> -> memref<10240xf32, #tpu.memory_space<vmem_shared>>
      %dma_wait3A_68 = arith.constant 0 : i32
      %dma_wait3A_69 = tpu.memref_slice %arg16[%arg1, %dma_wait3A_68] : memref<16x10240xf32, #tpu.memory_space<vmem_shared>> -> memref<1x10240xf32, #tpu.memory_space<vmem_shared>>
      %dma_wait3A_70 = tpu.memref_squeeze %dma_wait3A_69 : memref<1x10240xf32, #tpu.memory_space<vmem_shared>> -> memref<10240xf32, #tpu.memory_space<vmem_shared>>
      tpu.wait_dma2 semaphore(%run_scoped3A : memref<!tpu.dma_semaphore, #tpu.memory_space<semaphore_mem>>) src(%arg12 : memref<10240xf32, #tpu.memory_space<vmem>>) dst(%dma_wait3A_70 : memref<10240xf32, #tpu.memory_space<vmem_shared>>)
      tpu.yield
    }) : () -> ()
    %barrier3A = arith.constant 0 : index
    tpu.barrier barrier_id(%barrier3A)
    %mul3A_52 = arith.constant 640 : i32
    %mul3A_53 = arith.muli %arg1, %mul3A_52 : i32
    "tpu.region"() ({
      %run_scoped3A = tpu.sem_alloc : memref<!tpu.dma_semaphore, #tpu.memory_space<semaphore_mem>>
      %dma_start3A_59 = arith.constant 0 : i32
      %dma_start3A_60 = tpu.memref_slice %arg16[%dma_start3A_59, %mul3A_53] : memref<16x10240xf32, #tpu.memory_space<vmem_shared>> -> memref<16x640xf32, #tpu.memory_space<vmem_shared>>
      %dma_start3A_61 = arith.constant 0 : i32
      %dma_start3A_62 = tpu.memref_slice %arg16[%dma_start3A_61, %mul3A_53] : memref<16x10240xf32, #tpu.memory_space<vmem_shared>> -> memref<16x640xf32, #tpu.memory_space<vmem_shared>>
      tpu.enqueue_dma source(%dma_start3A_62 : memref<16x640xf32, #tpu.memory_space<vmem_shared>>) target(%arg13 : memref<16x640xf32, #tpu.memory_space<vmem>>) target_semaphore(%run_scoped3A : memref<!tpu.dma_semaphore, #tpu.memory_space<semaphore_mem>>)
      %dma_wait3A_63 = arith.constant 0 : i32
      %dma_wait3A_64 = tpu.memref_slice %arg16[%dma_wait3A_63, %mul3A_53] : memref<16x10240xf32, #tpu.memory_space<vmem_shared>> -> memref<16x640xf32, #tpu.memory_space<vmem_shared>>
      %dma_wait3A_65 = arith.constant 0 : i32
      %dma_wait3A_66 = tpu.memref_slice %arg16[%dma_wait3A_65, %mul3A_53] : memref<16x10240xf32, #tpu.memory_space<vmem_shared>> -> memref<16x640xf32, #tpu.memory_space<vmem_shared>>
      tpu.wait_dma2 semaphore(%run_scoped3A : memref<!tpu.dma_semaphore, #tpu.memory_space<semaphore_mem>>) src(%dma_wait3A_66 : memref<16x640xf32, #tpu.memory_space<vmem_shared>>) dst(%arg13 : memref<16x640xf32, #tpu.memory_space<vmem>>)
      tpu.yield
    }) : () -> ()
    %scan3A_54 = arith.constant 0 : i32
    %scan3A_55 = arith.constant 40 : i32
    %scan3A_56 = arith.addi %scan3A_54, %scan3A_55 : i32
    %scan3A_57 = arith.constant 4 : i32
    scf.for %scan3A_59 = %scan3A_54 to %scan3A_56 step %scan3A_57  : i32 {
      %mul3A_60 = arith.constant 1 : i32
      %mul3A_61 = arith.muli %scan3A_59, %mul3A_60 : i32
      %add3A_62 = arith.constant 0 : i32
      %add3A_63 = arith.addi %add3A_62, %mul3A_61 : i32
      %mul3A_64 = arith.constant 16 : i32
      %mul3A_65 = arith.muli %add3A_63, %mul3A_64 : i32
      %get3A_66 = arith.constant 0 : i32
      %get3A_67 = arith.index_cast %get3A_66 : i32 to index
      %get3A_68 = arith.index_cast %mul3A_65 : i32 to index
      %get3A_69 = tpu.vector_load %arg13[%get3A_67, %get3A_68] {strides = array<i32>} : memref<16x640xf32, #tpu.memory_space<vmem>>, vector<16xf32>,
      %get3A_70 = arith.constant 1 : i32
      %get3A_71 = arith.index_cast %get3A_70 : i32 to index
      %get3A_72 = arith.index_cast %mul3A_65 : i32 to index
      %get3A_73 = tpu.vector_load %arg13[%get3A_71, %get3A_72] {strides = array<i32>} : memref<16x640xf32, #tpu.memory_space<vmem>>, vector<16xf32>,
      %add3A_74 = arith.addf %get3A_69, %get3A_73 : vector<16xf32>
      %get3A_75 = arith.constant 2 : i32
      %get3A_76 = arith.index_cast %get3A_75 : i32 to index
      %get3A_77 = arith.index_cast %mul3A_65 : i32 to index
      %get3A_78 = tpu.vector_load %arg13[%get3A_76, %get3A_77] {strides = array<i32>} : memref<16x640xf32, #tpu.memory_space<vmem>>, vector<16xf32>,
      %add3A_79 = arith.addf %add3A_74, %get3A_78 : vector<16xf32>
      %get3A_80 = arith.constant 3 : i32
      %get3A_81 = arith.index_cast %get3A_80 : i32 to index
      %get3A_82 = arith.index_cast %mul3A_65 : i32 to index
      %get3A_83 = tpu.vector_load %arg13[%get3A_81, %get3A_82] {strides = array<i32>} : memref<16x640xf32, #tpu.memory_space<vmem>>, vector<16xf32>,
      %add3A_84 = arith.addf %add3A_79, %get3A_83 : vector<16xf32>
      %get3A_85 = arith.constant 4 : i32
      %get3A_86 = arith.index_cast %get3A_85 : i32 to index
      %get3A_87 = arith.index_cast %mul3A_65 : i32 to index
      %get3A_88 = tpu.vector_load %arg13[%get3A_86, %get3A_87] {strides = array<i32>} : memref<16x640xf32, #tpu.memory_space<vmem>>, vector<16xf32>,
      %add3A_89 = arith.addf %add3A_84, %get3A_88 : vector<16xf32>
      %get3A_90 = arith.constant 5 : i32
      %get3A_91 = arith.index_cast %get3A_90 : i32 to index
      %get3A_92 = arith.index_cast %mul3A_65 : i32 to index
      %get3A_93 = tpu.vector_load %arg13[%get3A_91, %get3A_92] {strides = array<i32>} : memref<16x640xf32, #tpu.memory_space<vmem>>, vector<16xf32>,
      %add3A_94 = arith.addf %add3A_89, %get3A_93 : vector<16xf32>
      %get3A_95 = arith.constant 6 : i32
      %get3A_96 = arith.index_cast %get3A_95 : i32 to index
      %get3A_97 = arith.index_cast %mul3A_65 : i32 to index
      %get3A_98 = tpu.vector_load %arg13[%get3A_96, %get3A_97] {strides = array<i32>} : memref<16x640xf32, #tpu.memory_space<vmem>>, vector<16xf32>,
      %add3A_99 = arith.addf %add3A_94, %get3A_98 : vector<16xf32>
      %get3A_100 = arith.constant 7 : i32
      %get3A_101 = arith.index_cast %get3A_100 : i32 to index
      %get3A_102 = arith.index_cast %mul3A_65 : i32 to index
      %get3A_103 = tpu.vector_load %arg13[%get3A_101, %get3A_102] {strides = array<i32>} : memref<16x640xf32, #tpu.memory_space<vmem>>, vector<16xf32>,
      %add3A_104 = arith.addf %add3A_99, %get3A_103 : vector<16xf32>
      %get3A_105 = arith.constant 8 : i32
      %get3A_106 = arith.index_cast %get3A_105 : i32 to index
      %get3A_107 = arith.index_cast %mul3A_65 : i32 to index
      %get3A_108 = tpu.vector_load %arg13[%get3A_106, %get3A_107] {strides = array<i32>} : memref<16x640xf32, #tpu.memory_space<vmem>>, vector<16xf32>,
      %add3A_109 = arith.addf %add3A_104, %get3A_108 : vector<16xf32>
      %get3A_110 = arith.constant 9 : i32
      %get3A_111 = arith.index_cast %get3A_110 : i32 to index
      %get3A_112 = arith.index_cast %mul3A_65 : i32 to index
      %get3A_113 = tpu.vector_load %arg13[%get3A_111, %get3A_112] {strides = array<i32>} : memref<16x640xf32, #tpu.memory_space<vmem>>, vector<16xf32>,
      %add3A_114 = arith.addf %add3A_109, %get3A_113 : vector<16xf32>
      %get3A_115 = arith.constant 10 : i32
      %get3A_116 = arith.index_cast %get3A_115 : i32 to index
      %get3A_117 = arith.index_cast %mul3A_65 : i32 to index
      %get3A_118 = tpu.vector_load %arg13[%get3A_116, %get3A_117] {strides = array<i32>} : memref<16x640xf32, #tpu.memory_space<vmem>>, vector<16xf32>,
      %add3A_119 = arith.addf %add3A_114, %get3A_118 : vector<16xf32>
      %get3A_120 = arith.constant 11 : i32
      %get3A_121 = arith.index_cast %get3A_120 : i32 to index
      %get3A_122 = arith.index_cast %mul3A_65 : i32 to index
      %get3A_123 = tpu.vector_load %arg13[%get3A_121, %get3A_122] {strides = array<i32>} : memref<16x640xf32, #tpu.memory_space<vmem>>, vector<16xf32>,
      %add3A_124 = arith.addf %add3A_119, %get3A_123 : vector<16xf32>
      %get3A_125 = arith.constant 12 : i32
      %get3A_126 = arith.index_cast %get3A_125 : i32 to index
      %get3A_127 = arith.index_cast %mul3A_65 : i32 to index
      %get3A_128 = tpu.vector_load %arg13[%get3A_126, %get3A_127] {strides = array<i32>} : memref<16x640xf32, #tpu.memory_space<vmem>>, vector<16xf32>,
      %add3A_129 = arith.addf %add3A_124, %get3A_128 : vector<16xf32>
      %get3A_130 = arith.constant 13 : i32
      %get3A_131 = arith.index_cast %get3A_130 : i32 to index
      %get3A_132 = arith.index_cast %mul3A_65 : i32 to index
      %get3A_133 = tpu.vector_load %arg13[%get3A_131, %get3A_132] {strides = array<i32>} : memref<16x640xf32, #tpu.memory_space<vmem>>, vector<16xf32>,
      %add3A_134 = arith.addf %add3A_129, %get3A_133 : vector<16xf32>
      %get3A_135 = arith.constant 14 : i32
      %get3A_136 = arith.index_cast %get3A_135 : i32 to index
      %get3A_137 = arith.index_cast %mul3A_65 : i32 to index
      %get3A_138 = tpu.vector_load %arg13[%get3A_136, %get3A_137] {strides = array<i32>} : memref<16x640xf32, #tpu.memory_space<vmem>>, vector<16xf32>,
      %add3A_139 = arith.addf %add3A_134, %get3A_138 : vector<16xf32>
      %get3A_140 = arith.constant 15 : i32
      %get3A_141 = arith.index_cast %get3A_140 : i32 to index
      %get3A_142 = arith.index_cast %mul3A_65 : i32 to index
      %get3A_143 = tpu.vector_load %arg13[%get3A_141, %get3A_142] {strides = array<i32>} : memref<16x640xf32, #tpu.memory_space<vmem>>, vector<16xf32>,
      %add3A_144 = arith.addf %add3A_139, %get3A_143 : vector<16xf32>
      %swap3A_145 = arith.index_cast %mul3A_65 : i32 to index
      %swap3A_146 = tpu.vector_load %arg14[%swap3A_145] {strides = array<i32>} : memref<640xf32, #tpu.memory_space<vmem>>, vector<16xf32>,
      tpu.vector_store %arg14[%swap3A_145], %add3A_144 {strides = array<i32>} : memref<640xf32, #tpu.memory_space<vmem>>, vector<16xf32>,
      %scan3A_147 = arith.constant 1 : i32
      %scan3A_148 = arith.addi %scan3A_59, %scan3A_147 : i32
      %mul3A_149 = arith.constant 1 : i32
      %mul3A_150 = arith.muli %scan3A_148, %mul3A_149 : i32
      %add3A_151 = arith.constant 0 : i32
      %add3A_152 = arith.addi %add3A_151, %mul3A_150 : i32
      %mul3A_153 = arith.constant 16 : i32
      %mul3A_154 = arith.muli %add3A_152, %mul3A_153 : i32
      %get3A_155 = arith.constant 0 : i32
      %get3A_156 = arith.index_cast %get3A_155 : i32 to index
      %get3A_157 = arith.index_cast %mul3A_154 : i32 to index
      %get3A_158 = tpu.vector_load %arg13[%get3A_156, %get3A_157] {strides = array<i32>} : memref<16x640xf32, #tpu.memory_space<vmem>>, vector<16xf32>,
      %get3A_159 = arith.constant 1 : i32
      %get3A_160 = arith.index_cast %get3A_159 : i32 to index
      %get3A_161 = arith.index_cast %mul3A_154 : i32 to index
      %get3A_162 = tpu.vector_load %arg13[%get3A_160, %get3A_161] {strides = array<i32>} : memref<16x640xf32, #tpu.memory_space<vmem>>, vector<16xf32>,
      %add3A_163 = arith.addf %get3A_158, %get3A_162 : vector<16xf32>
      %get3A_164 = arith.constant 2 : i32
      %get3A_165 = arith.index_cast %get3A_164 : i32 to index
      %get3A_166 = arith.index_cast %mul3A_154 : i32 to index
      %get3A_167 = tpu.vector_load %arg13[%get3A_165, %get3A_166] {strides = array<i32>} : memref<16x640xf32, #tpu.memory_space<vmem>>, vector<16xf32>,
      %add3A_168 = arith.addf %add3A_163, %get3A_167 : vector<16xf32>
      %get3A_169 = arith.constant 3 : i32
      %get3A_170 = arith.index_cast %get3A_169 : i32 to index
      %get3A_171 = arith.index_cast %mul3A_154 : i32 to index
      %get3A_172 = tpu.vector_load %arg13[%get3A_170, %get3A_171] {strides = array<i32>} : memref<16x640xf32, #tpu.memory_space<vmem>>, vector<16xf32>,
      %add3A_173 = arith.addf %add3A_168, %get3A_172 : vector<16xf32>
      %get3A_174 = arith.constant 4 : i32
      %get3A_175 = arith.index_cast %get3A_174 : i32 to index
      %get3A_176 = arith.index_cast %mul3A_154 : i32 to index
      %get3A_177 = tpu.vector_load %arg13[%get3A_175, %get3A_176] {strides = array<i32>} : memref<16x640xf32, #tpu.memory_space<vmem>>, vector<16xf32>,
      %add3A_178 = arith.addf %add3A_173, %get3A_177 : vector<16xf32>
      %get3A_179 = arith.constant 5 : i32
      %get3A_180 = arith.index_cast %get3A_179 : i32 to index
      %get3A_181 = arith.index_cast %mul3A_154 : i32 to index
      %get3A_182 = tpu.vector_load %arg13[%get3A_180, %get3A_181] {strides = array<i32>} : memref<16x640xf32, #tpu.memory_space<vmem>>, vector<16xf32>,
      %add3A_183 = arith.addf %add3A_178, %get3A_182 : vector<16xf32>
      %get3A_184 = arith.constant 6 : i32
      %get3A_185 = arith.index_cast %get3A_184 : i32 to index
      %get3A_186 = arith.index_cast %mul3A_154 : i32 to index
      %get3A_187 = tpu.vector_load %arg13[%get3A_185, %get3A_186] {strides = array<i32>} : memref<16x640xf32, #tpu.memory_space<vmem>>, vector<16xf32>,
      %add3A_188 = arith.addf %add3A_183, %get3A_187 : vector<16xf32>
      %get3A_189 = arith.constant 7 : i32
      %get3A_190 = arith.index_cast %get3A_189 : i32 to index
      %get3A_191 = arith.index_cast %mul3A_154 : i32 to index
      %get3A_192 = tpu.vector_load %arg13[%get3A_190, %get3A_191] {strides = array<i32>} : memref<16x640xf32, #tpu.memory_space<vmem>>, vector<16xf32>,
      %add3A_193 = arith.addf %add3A_188, %get3A_192 : vector<16xf32>
      %get3A_194 = arith.constant 8 : i32
      %get3A_195 = arith.index_cast %get3A_194 : i32 to index
      %get3A_196 = arith.index_cast %mul3A_154 : i32 to index
      %get3A_197 = tpu.vector_load %arg13[%get3A_195, %get3A_196] {strides = array<i32>} : memref<16x640xf32, #tpu.memory_space<vmem>>, vector<16xf32>,
      %add3A_198 = arith.addf %add3A_193, %get3A_197 : vector<16xf32>
      %get3A_199 = arith.constant 9 : i32
      %get3A_200 = arith.index_cast %get3A_199 : i32 to index
      %get3A_201 = arith.index_cast %mul3A_154 : i32 to index
      %get3A_202 = tpu.vector_load %arg13[%get3A_200, %get3A_201] {strides = array<i32>} : memref<16x640xf32, #tpu.memory_space<vmem>>, vector<16xf32>,
      %add3A_203 = arith.addf %add3A_198, %get3A_202 : vector<16xf32>
      %get3A_204 = arith.constant 10 : i32
      %get3A_205 = arith.index_cast %get3A_204 : i32 to index
      %get3A_206 = arith.index_cast %mul3A_154 : i32 to index
      %get3A_207 = tpu.vector_load %arg13[%get3A_205, %get3A_206] {strides = array<i32>} : memref<16x640xf32, #tpu.memory_space<vmem>>, vector<16xf32>,
      %add3A_208 = arith.addf %add3A_203, %get3A_207 : vector<16xf32>
      %get3A_209 = arith.constant 11 : i32
      %get3A_210 = arith.index_cast %get3A_209 : i32 to index
      %get3A_211 = arith.index_cast %mul3A_154 : i32 to index
      %get3A_212 = tpu.vector_load %arg13[%get3A_210, %get3A_211] {strides = array<i32>} : memref<16x640xf32, #tpu.memory_space<vmem>>, vector<16xf32>,
      %add3A_213 = arith.addf %add3A_208, %get3A_212 : vector<16xf32>
      %get3A_214 = arith.constant 12 : i32
      %get3A_215 = arith.index_cast %get3A_214 : i32 to index
      %get3A_216 = arith.index_cast %mul3A_154 : i32 to index
      %get3A_217 = tpu.vector_load %arg13[%get3A_215, %get3A_216] {strides = array<i32>} : memref<16x640xf32, #tpu.memory_space<vmem>>, vector<16xf32>,
      %add3A_218 = arith.addf %add3A_213, %get3A_217 : vector<16xf32>
      %get3A_219 = arith.constant 13 : i32
      %get3A_220 = arith.index_cast %get3A_219 : i32 to index
      %get3A_221 = arith.index_cast %mul3A_154 : i32 to index
      %get3A_222 = tpu.vector_load %arg13[%get3A_220, %get3A_221] {strides = array<i32>} : memref<16x640xf32, #tpu.memory_space<vmem>>, vector<16xf32>,
      %add3A_223 = arith.addf %add3A_218, %get3A_222 : vector<16xf32>
      %get3A_224 = arith.constant 14 : i32
      %get3A_225 = arith.index_cast %get3A_224 : i32 to index
      %get3A_226 = arith.index_cast %mul3A_154 : i32 to index
      %get3A_227 = tpu.vector_load %arg13[%get3A_225, %get3A_226] {strides = array<i32>} : memref<16x640xf32, #tpu.memory_space<vmem>>, vector<16xf32>,
      %add3A_228 = arith.addf %add3A_223, %get3A_227 : vector<16xf32>
      %get3A_229 = arith.constant 15 : i32
      %get3A_230 = arith.index_cast %get3A_229 : i32 to index
      %get3A_231 = arith.index_cast %mul3A_154 : i32 to index
      %get3A_232 = tpu.vector_load %arg13[%get3A_230, %get3A_231] {strides = array<i32>} : memref<16x640xf32, #tpu.memory_space<vmem>>, vector<16xf32>,
      %add3A_233 = arith.addf %add3A_228, %get3A_232 : vector<16xf32>
      %swap3A_234 = arith.index_cast %mul3A_154 : i32 to index
      %swap3A_235 = tpu.vector_load %arg14[%swap3A_234] {strides = array<i32>} : memref<640xf32, #tpu.memory_space<vmem>>, vector<16xf32>,
      tpu.vector_store %arg14[%swap3A_234], %add3A_233 {strides = array<i32>} : memref<640xf32, #tpu.memory_space<vmem>>, vector<16xf32>,
      %scan3A_236 = arith.constant 2 : i32
      %scan3A_237 = arith.addi %scan3A_59, %scan3A_236 : i32
      %mul3A_238 = arith.constant 1 : i32
      %mul3A_239 = arith.muli %scan3A_237, %mul3A_238 : i32
      %add3A_240 = arith.constant 0 : i32
      %add3A_241 = arith.addi %add3A_240, %mul3A_239 : i32
      %mul3A_242 = arith.constant 16 : i32
      %mul3A_243 = arith.muli %add3A_241, %mul3A_242 : i32
      %get3A_244 = arith.constant 0 : i32
      %get3A_245 = arith.index_cast %get3A_244 : i32 to index
      %get3A_246 = arith.index_cast %mul3A_243 : i32 to index
      %get3A_247 = tpu.vector_load %arg13[%get3A_245, %get3A_246] {strides = array<i32>} : memref<16x640xf32, #tpu.memory_space<vmem>>, vector<16xf32>,
      %get3A_248 = arith.constant 1 : i32
      %get3A_249 = arith.index_cast %get3A_248 : i32 to index
      %get3A_250 = arith.index_cast %mul3A_243 : i32 to index
      %get3A_251 = tpu.vector_load %arg13[%get3A_249, %get3A_250] {strides = array<i32>} : memref<16x640xf32, #tpu.memory_space<vmem>>, vector<16xf32>,
      %add3A_252 = arith.addf %get3A_247, %get3A_251 : vector<16xf32>
      %get3A_253 = arith.constant 2 : i32
      %get3A_254 = arith.index_cast %get3A_253 : i32 to index
      %get3A_255 = arith.index_cast %mul3A_243 : i32 to index
      %get3A_256 = tpu.vector_load %arg13[%get3A_254, %get3A_255] {strides = array<i32>} : memref<16x640xf32, #tpu.memory_space<vmem>>, vector<16xf32>,
      %add3A_257 = arith.addf %add3A_252, %get3A_256 : vector<16xf32>
      %get3A_258 = arith.constant 3 : i32
      %get3A_259 = arith.index_cast %get3A_258 : i32 to index
      %get3A_260 = arith.index_cast %mul3A_243 : i32 to index
      %get3A_261 = tpu.vector_load %arg13[%get3A_259, %get3A_260] {strides = array<i32>} : memref<16x640xf32, #tpu.memory_space<vmem>>, vector<16xf32>,
      %add3A_262 = arith.addf %add3A_257, %get3A_261 : vector<16xf32>
      %get3A_263 = arith.constant 4 : i32
      %get3A_264 = arith.index_cast %get3A_263 : i32 to index
      %get3A_265 = arith.index_cast %mul3A_243 : i32 to index
      %get3A_266 = tpu.vector_load %arg13[%get3A_264, %get3A_265] {strides = array<i32>} : memref<16x640xf32, #tpu.memory_space<vmem>>, vector<16xf32>,
      %add3A_267 = arith.addf %add3A_262, %get3A_266 : vector<16xf32>
      %get3A_268 = arith.constant 5 : i32
      %get3A_269 = arith.index_cast %get3A_268 : i32 to index
      %get3A_270 = arith.index_cast %mul3A_243 : i32 to index
      %get3A_271 = tpu.vector_load %arg13[%get3A_269, %get3A_270] {strides = array<i32>} : memref<16x640xf32, #tpu.memory_space<vmem>>, vector<16xf32>,
      %add3A_272 = arith.addf %add3A_267, %get3A_271 : vector<16xf32>
      %get3A_273 = arith.constant 6 : i32
      %get3A_274 = arith.index_cast %get3A_273 : i32 to index
      %get3A_275 = arith.index_cast %mul3A_243 : i32 to index
      %get3A_276 = tpu.vector_load %arg13[%get3A_274, %get3A_275] {strides = array<i32>} : memref<16x640xf32, #tpu.memory_space<vmem>>, vector<16xf32>,
      %add3A_277 = arith.addf %add3A_272, %get3A_276 : vector<16xf32>
      %get3A_278 = arith.constant 7 : i32
      %get3A_279 = arith.index_cast %get3A_278 : i32 to index
      %get3A_280 = arith.index_cast %mul3A_243 : i32 to index
      %get3A_281 = tpu.vector_load %arg13[%get3A_279, %get3A_280] {strides = array<i32>} : memref<16x640xf32, #tpu.memory_space<vmem>>, vector<16xf32>,
      %add3A_282 = arith.addf %add3A_277, %get3A_281 : vector<16xf32>
      %get3A_283 = arith.constant 8 : i32
      %get3A_284 = arith.index_cast %get3A_283 : i32 to index
      %get3A_285 = arith.index_cast %mul3A_243 : i32 to index
      %get3A_286 = tpu.vector_load %arg13[%get3A_284, %get3A_285] {strides = array<i32>} : memref<16x640xf32, #tpu.memory_space<vmem>>, vector<16xf32>,
      %add3A_287 = arith.addf %add3A_282, %get3A_286 : vector<16xf32>
      %get3A_288 = arith.constant 9 : i32
      %get3A_289 = arith.index_cast %get3A_288 : i32 to index
      %get3A_290 = arith.index_cast %mul3A_243 : i32 to index
      %get3A_291 = tpu.vector_load %arg13[%get3A_289, %get3A_290] {strides = array<i32>} : memref<16x640xf32, #tpu.memory_space<vmem>>, vector<16xf32>,
      %add3A_292 = arith.addf %add3A_287, %get3A_291 : vector<16xf32>
      %get3A_293 = arith.constant 10 : i32
      %get3A_294 = arith.index_cast %get3A_293 : i32 to index
      %get3A_295 = arith.index_cast %mul3A_243 : i32 to index
      %get3A_296 = tpu.vector_load %arg13[%get3A_294, %get3A_295] {strides = array<i32>} : memref<16x640xf32, #tpu.memory_space<vmem>>, vector<16xf32>,
      %add3A_297 = arith.addf %add3A_292, %get3A_296 : vector<16xf32>
      %get3A_298 = arith.constant 11 : i32
      %get3A_299 = arith.index_cast %get3A_298 : i32 to index
      %get3A_300 = arith.index_cast %mul3A_243 : i32 to index
      %get3A_301 = tpu.vector_load %arg13[%get3A_299, %get3A_300] {strides = array<i32>} : memref<16x640xf32, #tpu.memory_space<vmem>>, vector<16xf32>,
      %add3A_302 = arith.addf %add3A_297, %get3A_301 : vector<16xf32>
      %get3A_303 = arith.constant 12 : i32
      %get3A_304 = arith.index_cast %get3A_303 : i32 to index
      %get3A_305 = arith.index_cast %mul3A_243 : i32 to index
      %get3A_306 = tpu.vector_load %arg13[%get3A_304, %get3A_305] {strides = array<i32>} : memref<16x640xf32, #tpu.memory_space<vmem>>, vector<16xf32>,
      %add3A_307 = arith.addf %add3A_302, %get3A_306 : vector<16xf32>
      %get3A_308 = arith.constant 13 : i32
      %get3A_309 = arith.index_cast %get3A_308 : i32 to index
      %get3A_310 = arith.index_cast %mul3A_243 : i32 to index
      %get3A_311 = tpu.vector_load %arg13[%get3A_309, %get3A_310] {strides = array<i32>} : memref<16x640xf32, #tpu.memory_space<vmem>>, vector<16xf32>,
      %add3A_312 = arith.addf %add3A_307, %get3A_311 : vector<16xf32>
      %get3A_313 = arith.constant 14 : i32
      %get3A_314 = arith.index_cast %get3A_313 : i32 to index
      %get3A_315 = arith.index_cast %mul3A_243 : i32 to index
      %get3A_316 = tpu.vector_load %arg13[%get3A_314, %get3A_315] {strides = array<i32>} : memref<16x640xf32, #tpu.memory_space<vmem>>, vector<16xf32>,
      %add3A_317 = arith.addf %add3A_312, %get3A_316 : vector<16xf32>
      %get3A_318 = arith.constant 15 : i32
      %get3A_319 = arith.index_cast %get3A_318 : i32 to index
      %get3A_320 = arith.index_cast %mul3A_243 : i32 to index
      %get3A_321 = tpu.vector_load %arg13[%get3A_319, %get3A_320] {strides = array<i32>} : memref<16x640xf32, #tpu.memory_space<vmem>>, vector<16xf32>,
      %add3A_322 = arith.addf %add3A_317, %get3A_321 : vector<16xf32>
      %swap3A_323 = arith.index_cast %mul3A_243 : i32 to index
      %swap3A_324 = tpu.vector_load %arg14[%swap3A_323] {strides = array<i32>} : memref<640xf32, #tpu.memory_space<vmem>>, vector<16xf32>,
      tpu.vector_store %arg14[%swap3A_323], %add3A_322 {strides = array<i32>} : memref<640xf32, #tpu.memory_space<vmem>>, vector<16xf32>,
      %scan3A_325 = arith.constant 3 : i32
      %scan3A_326 = arith.addi %scan3A_59, %scan3A_325 : i32
      %mul3A_327 = arith.constant 1 : i32
      %mul3A_328 = arith.muli %scan3A_326, %mul3A_327 : i32
      %add3A_329 = arith.constant 0 : i32
      %add3A_330 = arith.addi %add3A_329, %mul3A_328 : i32
      %mul3A_331 = arith.constant 16 : i32
      %mul3A_332 = arith.muli %add3A_330, %mul3A_331 : i32
      %get3A_333 = arith.constant 0 : i32
      %get3A_334 = arith.index_cast %get3A_333 : i32 to index
      %get3A_335 = arith.index_cast %mul3A_332 : i32 to index
      %get3A_336 = tpu.vector_load %arg13[%get3A_334, %get3A_335] {strides = array<i32>} : memref<16x640xf32, #tpu.memory_space<vmem>>, vector<16xf32>,
      %get3A_337 = arith.constant 1 : i32
      %get3A_338 = arith.index_cast %get3A_337 : i32 to index
      %get3A_339 = arith.index_cast %mul3A_332 : i32 to index
      %get3A_340 = tpu.vector_load %arg13[%get3A_338, %get3A_339] {strides = array<i32>} : memref<16x640xf32, #tpu.memory_space<vmem>>, vector<16xf32>,
      %add3A_341 = arith.addf %get3A_336, %get3A_340 : vector<16xf32>
      %get3A_342 = arith.constant 2 : i32
      %get3A_343 = arith.index_cast %get3A_342 : i32 to index
      %get3A_344 = arith.index_cast %mul3A_332 : i32 to index
      %get3A_345 = tpu.vector_load %arg13[%get3A_343, %get3A_344] {strides = array<i32>} : memref<16x640xf32, #tpu.memory_space<vmem>>, vector<16xf32>,
      %add3A_346 = arith.addf %add3A_341, %get3A_345 : vector<16xf32>
      %get3A_347 = arith.constant 3 : i32
      %get3A_348 = arith.index_cast %get3A_347 : i32 to index
      %get3A_349 = arith.index_cast %mul3A_332 : i32 to index
      %get3A_350 = tpu.vector_load %arg13[%get3A_348, %get3A_349] {strides = array<i32>} : memref<16x640xf32, #tpu.memory_space<vmem>>, vector<16xf32>,
      %add3A_351 = arith.addf %add3A_346, %get3A_350 : vector<16xf32>
      %get3A_352 = arith.constant 4 : i32
      %get3A_353 = arith.index_cast %get3A_352 : i32 to index
      %get3A_354 = arith.index_cast %mul3A_332 : i32 to index
      %get3A_355 = tpu.vector_load %arg13[%get3A_353, %get3A_354] {strides = array<i32>} : memref<16x640xf32, #tpu.memory_space<vmem>>, vector<16xf32>,
      %add3A_356 = arith.addf %add3A_351, %get3A_355 : vector<16xf32>
      %get3A_357 = arith.constant 5 : i32
      %get3A_358 = arith.index_cast %get3A_357 : i32 to index
      %get3A_359 = arith.index_cast %mul3A_332 : i32 to index
      %get3A_360 = tpu.vector_load %arg13[%get3A_358, %get3A_359] {strides = array<i32>} : memref<16x640xf32, #tpu.memory_space<vmem>>, vector<16xf32>,
      %add3A_361 = arith.addf %add3A_356, %get3A_360 : vector<16xf32>
      %get3A_362 = arith.constant 6 : i32
      %get3A_363 = arith.index_cast %get3A_362 : i32 to index
      %get3A_364 = arith.index_cast %mul3A_332 : i32 to index
      %get3A_365 = tpu.vector_load %arg13[%get3A_363, %get3A_364] {strides = array<i32>} : memref<16x640xf32, #tpu.memory_space<vmem>>, vector<16xf32>,
      %add3A_366 = arith.addf %add3A_361, %get3A_365 : vector<16xf32>
      %get3A_367 = arith.constant 7 : i32
      %get3A_368 = arith.index_cast %get3A_367 : i32 to index
      %get3A_369 = arith.index_cast %mul3A_332 : i32 to index
      %get3A_370 = tpu.vector_load %arg13[%get3A_368, %get3A_369] {strides = array<i32>} : memref<16x640xf32, #tpu.memory_space<vmem>>, vector<16xf32>,
      %add3A_371 = arith.addf %add3A_366, %get3A_370 : vector<16xf32>
      %get3A_372 = arith.constant 8 : i32
      %get3A_373 = arith.index_cast %get3A_372 : i32 to index
      %get3A_374 = arith.index_cast %mul3A_332 : i32 to index
      %get3A_375 = tpu.vector_load %arg13[%get3A_373, %get3A_374] {strides = array<i32>} : memref<16x640xf32, #tpu.memory_space<vmem>>, vector<16xf32>,
      %add3A_376 = arith.addf %add3A_371, %get3A_375 : vector<16xf32>
      %get3A_377 = arith.constant 9 : i32
      %get3A_378 = arith.index_cast %get3A_377 : i32 to index
      %get3A_379 = arith.index_cast %mul3A_332 : i32 to index
      %get3A_380 = tpu.vector_load %arg13[%get3A_378, %get3A_379] {strides = array<i32>} : memref<16x640xf32, #tpu.memory_space<vmem>>, vector<16xf32>,
      %add3A_381 = arith.addf %add3A_376, %get3A_380 : vector<16xf32>
      %get3A_382 = arith.constant 10 : i32
      %get3A_383 = arith.index_cast %get3A_382 : i32 to index
      %get3A_384 = arith.index_cast %mul3A_332 : i32 to index
      %get3A_385 = tpu.vector_load %arg13[%get3A_383, %get3A_384] {strides = array<i32>} : memref<16x640xf32, #tpu.memory_space<vmem>>, vector<16xf32>,
      %add3A_386 = arith.addf %add3A_381, %get3A_385 : vector<16xf32>
      %get3A_387 = arith.constant 11 : i32
      %get3A_388 = arith.index_cast %get3A_387 : i32 to index
      %get3A_389 = arith.index_cast %mul3A_332 : i32 to index
      %get3A_390 = tpu.vector_load %arg13[%get3A_388, %get3A_389] {strides = array<i32>} : memref<16x640xf32, #tpu.memory_space<vmem>>, vector<16xf32>,
      %add3A_391 = arith.addf %add3A_386, %get3A_390 : vector<16xf32>
      %get3A_392 = arith.constant 12 : i32
      %get3A_393 = arith.index_cast %get3A_392 : i32 to index
      %get3A_394 = arith.index_cast %mul3A_332 : i32 to index
      %get3A_395 = tpu.vector_load %arg13[%get3A_393, %get3A_394] {strides = array<i32>} : memref<16x640xf32, #tpu.memory_space<vmem>>, vector<16xf32>,
      %add3A_396 = arith.addf %add3A_391, %get3A_395 : vector<16xf32>
      %get3A_397 = arith.constant 13 : i32
      %get3A_398 = arith.index_cast %get3A_397 : i32 to index
      %get3A_399 = arith.index_cast %mul3A_332 : i32 to index
      %get3A_400 = tpu.vector_load %arg13[%get3A_398, %get3A_399] {strides = array<i32>} : memref<16x640xf32, #tpu.memory_space<vmem>>, vector<16xf32>,
      %add3A_401 = arith.addf %add3A_396, %get3A_400 : vector<16xf32>
      %get3A_402 = arith.constant 14 : i32
      %get3A_403 = arith.index_cast %get3A_402 : i32 to index
      %get3A_404 = arith.index_cast %mul3A_332 : i32 to index
      %get3A_405 = tpu.vector_load %arg13[%get3A_403, %get3A_404] {strides = array<i32>} : memref<16x640xf32, #tpu.memory_space<vmem>>, vector<16xf32>,
      %add3A_406 = arith.addf %add3A_401, %get3A_405 : vector<16xf32>
      %get3A_407 = arith.constant 15 : i32
      %get3A_408 = arith.index_cast %get3A_407 : i32 to index
      %get3A_409 = arith.index_cast %mul3A_332 : i32 to index
      %get3A_410 = tpu.vector_load %arg13[%get3A_408, %get3A_409] {strides = array<i32>} : memref<16x640xf32, #tpu.memory_space<vmem>>, vector<16xf32>,
      %add3A_411 = arith.addf %add3A_406, %get3A_410 : vector<16xf32>
      %swap3A_412 = arith.index_cast %mul3A_332 : i32 to index
      %swap3A_413 = tpu.vector_load %arg14[%swap3A_412] {strides = array<i32>} : memref<640xf32, #tpu.memory_space<vmem>>, vector<16xf32>,
      tpu.vector_store %arg14[%swap3A_412], %add3A_411 {strides = array<i32>} : memref<640xf32, #tpu.memory_space<vmem>>, vector<16xf32>,
    }
    %scan3A_58 = arith.constant 40 : i32
    "tpu.region"() ({
      %run_scoped3A = tpu.sem_alloc : memref<!tpu.dma_semaphore, #tpu.memory_space<semaphore_mem>>
      %dma_start3A_59 = tpu.memref_slice %arg7[%arg0, %mul3A_53] : memref<2x10240xf32, #tpu.memory_space<hbm>> -> memref<1x640xf32, #tpu.memory_space<hbm>>
      %dma_start3A_60 = tpu.memref_squeeze %dma_start3A_59 : memref<1x640xf32, #tpu.memory_space<hbm>> -> memref<640xf32, #tpu.memory_space<hbm>>
      %dma_start3A_61 = tpu.memref_slice %arg7[%arg0, %mul3A_53] : memref<2x10240xf32, #tpu.memory_space<hbm>> -> memref<1x640xf32, #tpu.memory_space<hbm>>
      %dma_start3A_62 = tpu.memref_squeeze %dma_start3A_61 : memref<1x640xf32, #tpu.memory_space<hbm>> -> memref<640xf32, #tpu.memory_space<hbm>>
      tpu.enqueue_dma source(%arg14 : memref<640xf32, #tpu.memory_space<vmem>>) target(%dma_start3A_62 : memref<640xf32, #tpu.memory_space<hbm>>) target_semaphore(%run_scoped3A : memref<!tpu.dma_semaphore, #tpu.memory_space<semaphore_mem>>)
      %dma_wait3A_63 = tpu.memref_slice %arg7[%arg0, %mul3A_53] : memref<2x10240xf32, #tpu.memory_space<hbm>> -> memref<1x640xf32, #tpu.memory_space<hbm>>
      %dma_wait3A_64 = tpu.memref_squeeze %dma_wait3A_63 : memref<1x640xf32, #tpu.memory_space<hbm>> -> memref<640xf32, #tpu.memory_space<hbm>>
      %dma_wait3A_65 = tpu.memref_slice %arg7[%arg0, %mul3A_53] : memref<2x10240xf32, #tpu.memory_space<hbm>> -> memref<1x640xf32, #tpu.memory_space<hbm>>
      %dma_wait3A_66 = tpu.memref_squeeze %dma_wait3A_65 : memref<1x640xf32, #tpu.memory_space<hbm>> -> memref<640xf32, #tpu.memory_space<hbm>>
      tpu.wait_dma2 semaphore(%run_scoped3A : memref<!tpu.dma_semaphore, #tpu.memory_space<semaphore_mem>>) src(%arg14 : memref<640xf32, #tpu.memory_space<vmem>>) dst(%dma_wait3A_66 : memref<640xf32, #tpu.memory_space<hbm>>)
      tpu.yield
    }) : () -> ()
    return
  }
}

module attributes {stable_mosaic.version = 14 : i64} {
  func.func @_edge_body(%arg0: i32, %arg1: memref<1x50x128xi32, #tpu.memory_space<vmem>>, %arg2: memref<6400x128xf32, #tpu.memory_space<vmem>>, %arg3: memref<64x128xf32, #tpu.memory_space<vmem>>, %arg4: memref<128x128xf32, #tpu.memory_space<vmem>>, %arg5: memref<1x128xf32, #tpu.memory_space<vmem>>, %arg6: memref<1x50x128xf32, #tpu.memory_space<vmem>>) attributes {dimension_semantics = [#tpu.dimension_semantics<arbitrary>], iteration_bounds = array<i64: 50>, scalar_prefetch = 0 : i64, scratch_operands = 0 : i64, tpu.core_type = #tpu.core_type<tc>, window_params = [{transform_indices = @transform_0, window_bounds = array<i64: 1, 50, 128>}, {transform_indices = @transform_1, window_bounds = array<i64: 6400, 128>}, {pipeline_mode = #tpu.pipeline_mode<synchronous>, transform_indices = @transform_2, window_bounds = array<i64: 64, 128>}, {pipeline_mode = #tpu.pipeline_mode<synchronous>, transform_indices = @transform_3, window_bounds = array<i64: 128, 128>}, {pipeline_mode = #tpu.pipeline_mode<synchronous>, transform_indices = @transform_4, window_bounds = array<i64: 1, 128>}, {transform_indices = @transform_5, window_bounds = array<i64: 1, 50, 128>}]} {
    %get3A = arith.constant 0 : index
    %get3A_0 = arith.constant 0 : index
    %get3A_1 = arith.constant 0 : index
    %get3A_2 = vector.load %arg1[%get3A, %get3A_0, %get3A_1] : memref<1x50x128xi32, #tpu.memory_space<vmem>>, vector<1x50x128xi32>
    %get3A_3 = vector.shape_cast %get3A_2 : vector<1x50x128xi32> to vector<50x128xi32>
    %transpose3A = tpu.transpose %get3A_3, [1, 0] : vector<50x128xi32> -> vector<128x50xi32>
    %iota3A = tpu.iota {dimensions = array<i32: 1>} : vector<128x64xi32>
    %slice3A = vector.extract_strided_slice %transpose3A {offsets = [0, 0], sizes = [128, 1], strides = [1, 1]} : vector<128x50xi32> to vector<128x1xi32>
    %eq3A = vector.broadcast %slice3A : vector<128x1xi32> to vector<128x64xi32>
    %eq3A_4 = arith.cmpi eq, %eq3A, %iota3A : vector<128x64xi32>
    %convert_element_type3A = arith.extui %eq3A_4 : vector<128x64xi1> to vector<128x64xi32>
    %convert_element_type3A_5 = arith.sitofp %convert_element_type3A : vector<128x64xi32> to vector<128x64xf32>
    %slice3A_6 = vector.extract_strided_slice %transpose3A {offsets = [0, 1], sizes = [128, 1], strides = [1, 1]} : vector<128x50xi32> to vector<128x1xi32>
    %eq3A_7 = vector.broadcast %slice3A_6 : vector<128x1xi32> to vector<128x64xi32>
    %eq3A_8 = arith.cmpi eq, %eq3A_7, %iota3A : vector<128x64xi32>
    %convert_element_type3A_9 = arith.extui %eq3A_8 : vector<128x64xi1> to vector<128x64xi32>
    %convert_element_type3A_10 = arith.sitofp %convert_element_type3A_9 : vector<128x64xi32> to vector<128x64xf32>
    %slice3A_11 = vector.extract_strided_slice %transpose3A {offsets = [0, 2], sizes = [128, 1], strides = [1, 1]} : vector<128x50xi32> to vector<128x1xi32>
    %eq3A_12 = vector.broadcast %slice3A_11 : vector<128x1xi32> to vector<128x64xi32>
    %eq3A_13 = arith.cmpi eq, %eq3A_12, %iota3A : vector<128x64xi32>
    %convert_element_type3A_14 = arith.extui %eq3A_13 : vector<128x64xi1> to vector<128x64xi32>
    %convert_element_type3A_15 = arith.sitofp %convert_element_type3A_14 : vector<128x64xi32> to vector<128x64xf32>
    %slice3A_16 = vector.extract_strided_slice %transpose3A {offsets = [0, 3], sizes = [128, 1], strides = [1, 1]} : vector<128x50xi32> to vector<128x1xi32>
    %eq3A_17 = vector.broadcast %slice3A_16 : vector<128x1xi32> to vector<128x64xi32>
    %eq3A_18 = arith.cmpi eq, %eq3A_17, %iota3A : vector<128x64xi32>
    %convert_element_type3A_19 = arith.extui %eq3A_18 : vector<128x64xi1> to vector<128x64xi32>
    %convert_element_type3A_20 = arith.sitofp %convert_element_type3A_19 : vector<128x64xi32> to vector<128x64xf32>
    %slice3A_21 = vector.extract_strided_slice %transpose3A {offsets = [0, 4], sizes = [128, 1], strides = [1, 1]} : vector<128x50xi32> to vector<128x1xi32>
    %eq3A_22 = vector.broadcast %slice3A_21 : vector<128x1xi32> to vector<128x64xi32>
    %eq3A_23 = arith.cmpi eq, %eq3A_22, %iota3A : vector<128x64xi32>
    %convert_element_type3A_24 = arith.extui %eq3A_23 : vector<128x64xi1> to vector<128x64xi32>
    %convert_element_type3A_25 = arith.sitofp %convert_element_type3A_24 : vector<128x64xi32> to vector<128x64xf32>
    %slice3A_26 = vector.extract_strided_slice %transpose3A {offsets = [0, 5], sizes = [128, 1], strides = [1, 1]} : vector<128x50xi32> to vector<128x1xi32>
    %eq3A_27 = vector.broadcast %slice3A_26 : vector<128x1xi32> to vector<128x64xi32>
    %eq3A_28 = arith.cmpi eq, %eq3A_27, %iota3A : vector<128x64xi32>
    %convert_element_type3A_29 = arith.extui %eq3A_28 : vector<128x64xi1> to vector<128x64xi32>
    %convert_element_type3A_30 = arith.sitofp %convert_element_type3A_29 : vector<128x64xi32> to vector<128x64xf32>
    %slice3A_31 = vector.extract_strided_slice %transpose3A {offsets = [0, 6], sizes = [128, 1], strides = [1, 1]} : vector<128x50xi32> to vector<128x1xi32>
    %eq3A_32 = vector.broadcast %slice3A_31 : vector<128x1xi32> to vector<128x64xi32>
    %eq3A_33 = arith.cmpi eq, %eq3A_32, %iota3A : vector<128x64xi32>
    %convert_element_type3A_34 = arith.extui %eq3A_33 : vector<128x64xi1> to vector<128x64xi32>
    %convert_element_type3A_35 = arith.sitofp %convert_element_type3A_34 : vector<128x64xi32> to vector<128x64xf32>
    %slice3A_36 = vector.extract_strided_slice %transpose3A {offsets = [0, 7], sizes = [128, 1], strides = [1, 1]} : vector<128x50xi32> to vector<128x1xi32>
    %eq3A_37 = vector.broadcast %slice3A_36 : vector<128x1xi32> to vector<128x64xi32>
    %eq3A_38 = arith.cmpi eq, %eq3A_37, %iota3A : vector<128x64xi32>
    %convert_element_type3A_39 = arith.extui %eq3A_38 : vector<128x64xi1> to vector<128x64xi32>
    %convert_element_type3A_40 = arith.sitofp %convert_element_type3A_39 : vector<128x64xi32> to vector<128x64xf32>
    %slice3A_41 = vector.extract_strided_slice %transpose3A {offsets = [0, 8], sizes = [128, 1], strides = [1, 1]} : vector<128x50xi32> to vector<128x1xi32>
    %eq3A_42 = vector.broadcast %slice3A_41 : vector<128x1xi32> to vector<128x64xi32>
    %eq3A_43 = arith.cmpi eq, %eq3A_42, %iota3A : vector<128x64xi32>
    %convert_element_type3A_44 = arith.extui %eq3A_43 : vector<128x64xi1> to vector<128x64xi32>
    %convert_element_type3A_45 = arith.sitofp %convert_element_type3A_44 : vector<128x64xi32> to vector<128x64xf32>
    %slice3A_46 = vector.extract_strided_slice %transpose3A {offsets = [0, 9], sizes = [128, 1], strides = [1, 1]} : vector<128x50xi32> to vector<128x1xi32>
    %eq3A_47 = vector.broadcast %slice3A_46 : vector<128x1xi32> to vector<128x64xi32>
    %eq3A_48 = arith.cmpi eq, %eq3A_47, %iota3A : vector<128x64xi32>
    %convert_element_type3A_49 = arith.extui %eq3A_48 : vector<128x64xi1> to vector<128x64xi32>
    %convert_element_type3A_50 = arith.sitofp %convert_element_type3A_49 : vector<128x64xi32> to vector<128x64xf32>
    %slice3A_51 = vector.extract_strided_slice %transpose3A {offsets = [0, 10], sizes = [128, 1], strides = [1, 1]} : vector<128x50xi32> to vector<128x1xi32>
    %eq3A_52 = vector.broadcast %slice3A_51 : vector<128x1xi32> to vector<128x64xi32>
    %eq3A_53 = arith.cmpi eq, %eq3A_52, %iota3A : vector<128x64xi32>
    %convert_element_type3A_54 = arith.extui %eq3A_53 : vector<128x64xi1> to vector<128x64xi32>
    %convert_element_type3A_55 = arith.sitofp %convert_element_type3A_54 : vector<128x64xi32> to vector<128x64xf32>
    %slice3A_56 = vector.extract_strided_slice %transpose3A {offsets = [0, 11], sizes = [128, 1], strides = [1, 1]} : vector<128x50xi32> to vector<128x1xi32>
    %eq3A_57 = vector.broadcast %slice3A_56 : vector<128x1xi32> to vector<128x64xi32>
    %eq3A_58 = arith.cmpi eq, %eq3A_57, %iota3A : vector<128x64xi32>
    %convert_element_type3A_59 = arith.extui %eq3A_58 : vector<128x64xi1> to vector<128x64xi32>
    %convert_element_type3A_60 = arith.sitofp %convert_element_type3A_59 : vector<128x64xi32> to vector<128x64xf32>
    %slice3A_61 = vector.extract_strided_slice %transpose3A {offsets = [0, 12], sizes = [128, 1], strides = [1, 1]} : vector<128x50xi32> to vector<128x1xi32>
    %eq3A_62 = vector.broadcast %slice3A_61 : vector<128x1xi32> to vector<128x64xi32>
    %eq3A_63 = arith.cmpi eq, %eq3A_62, %iota3A : vector<128x64xi32>
    %convert_element_type3A_64 = arith.extui %eq3A_63 : vector<128x64xi1> to vector<128x64xi32>
    %convert_element_type3A_65 = arith.sitofp %convert_element_type3A_64 : vector<128x64xi32> to vector<128x64xf32>
    %slice3A_66 = vector.extract_strided_slice %transpose3A {offsets = [0, 13], sizes = [128, 1], strides = [1, 1]} : vector<128x50xi32> to vector<128x1xi32>
    %eq3A_67 = vector.broadcast %slice3A_66 : vector<128x1xi32> to vector<128x64xi32>
    %eq3A_68 = arith.cmpi eq, %eq3A_67, %iota3A : vector<128x64xi32>
    %convert_element_type3A_69 = arith.extui %eq3A_68 : vector<128x64xi1> to vector<128x64xi32>
    %convert_element_type3A_70 = arith.sitofp %convert_element_type3A_69 : vector<128x64xi32> to vector<128x64xf32>
    %slice3A_71 = vector.extract_strided_slice %transpose3A {offsets = [0, 14], sizes = [128, 1], strides = [1, 1]} : vector<128x50xi32> to vector<128x1xi32>
    %eq3A_72 = vector.broadcast %slice3A_71 : vector<128x1xi32> to vector<128x64xi32>
    %eq3A_73 = arith.cmpi eq, %eq3A_72, %iota3A : vector<128x64xi32>
    %convert_element_type3A_74 = arith.extui %eq3A_73 : vector<128x64xi1> to vector<128x64xi32>
    %convert_element_type3A_75 = arith.sitofp %convert_element_type3A_74 : vector<128x64xi32> to vector<128x64xf32>
    %slice3A_76 = vector.extract_strided_slice %transpose3A {offsets = [0, 15], sizes = [128, 1], strides = [1, 1]} : vector<128x50xi32> to vector<128x1xi32>
    %eq3A_77 = vector.broadcast %slice3A_76 : vector<128x1xi32> to vector<128x64xi32>
    %eq3A_78 = arith.cmpi eq, %eq3A_77, %iota3A : vector<128x64xi32>
    %convert_element_type3A_79 = arith.extui %eq3A_78 : vector<128x64xi1> to vector<128x64xi32>
    %convert_element_type3A_80 = arith.sitofp %convert_element_type3A_79 : vector<128x64xi32> to vector<128x64xf32>
    %slice3A_81 = vector.extract_strided_slice %transpose3A {offsets = [0, 16], sizes = [128, 1], strides = [1, 1]} : vector<128x50xi32> to vector<128x1xi32>
    %eq3A_82 = vector.broadcast %slice3A_81 : vector<128x1xi32> to vector<128x64xi32>
    %eq3A_83 = arith.cmpi eq, %eq3A_82, %iota3A : vector<128x64xi32>
    %convert_element_type3A_84 = arith.extui %eq3A_83 : vector<128x64xi1> to vector<128x64xi32>
    %convert_element_type3A_85 = arith.sitofp %convert_element_type3A_84 : vector<128x64xi32> to vector<128x64xf32>
    %slice3A_86 = vector.extract_strided_slice %transpose3A {offsets = [0, 17], sizes = [128, 1], strides = [1, 1]} : vector<128x50xi32> to vector<128x1xi32>
    %eq3A_87 = vector.broadcast %slice3A_86 : vector<128x1xi32> to vector<128x64xi32>
    %eq3A_88 = arith.cmpi eq, %eq3A_87, %iota3A : vector<128x64xi32>
    %convert_element_type3A_89 = arith.extui %eq3A_88 : vector<128x64xi1> to vector<128x64xi32>
    %convert_element_type3A_90 = arith.sitofp %convert_element_type3A_89 : vector<128x64xi32> to vector<128x64xf32>
    %slice3A_91 = vector.extract_strided_slice %transpose3A {offsets = [0, 18], sizes = [128, 1], strides = [1, 1]} : vector<128x50xi32> to vector<128x1xi32>
    %eq3A_92 = vector.broadcast %slice3A_91 : vector<128x1xi32> to vector<128x64xi32>
    %eq3A_93 = arith.cmpi eq, %eq3A_92, %iota3A : vector<128x64xi32>
    %convert_element_type3A_94 = arith.extui %eq3A_93 : vector<128x64xi1> to vector<128x64xi32>
    %convert_element_type3A_95 = arith.sitofp %convert_element_type3A_94 : vector<128x64xi32> to vector<128x64xf32>
    %slice3A_96 = vector.extract_strided_slice %transpose3A {offsets = [0, 19], sizes = [128, 1], strides = [1, 1]} : vector<128x50xi32> to vector<128x1xi32>
    %eq3A_97 = vector.broadcast %slice3A_96 : vector<128x1xi32> to vector<128x64xi32>
    %eq3A_98 = arith.cmpi eq, %eq3A_97, %iota3A : vector<128x64xi32>
    %convert_element_type3A_99 = arith.extui %eq3A_98 : vector<128x64xi1> to vector<128x64xi32>
    %convert_element_type3A_100 = arith.sitofp %convert_element_type3A_99 : vector<128x64xi32> to vector<128x64xf32>
    %slice3A_101 = vector.extract_strided_slice %transpose3A {offsets = [0, 20], sizes = [128, 1], strides = [1, 1]} : vector<128x50xi32> to vector<128x1xi32>
    %eq3A_102 = vector.broadcast %slice3A_101 : vector<128x1xi32> to vector<128x64xi32>
    %eq3A_103 = arith.cmpi eq, %eq3A_102, %iota3A : vector<128x64xi32>
    %convert_element_type3A_104 = arith.extui %eq3A_103 : vector<128x64xi1> to vector<128x64xi32>
    %convert_element_type3A_105 = arith.sitofp %convert_element_type3A_104 : vector<128x64xi32> to vector<128x64xf32>
    %slice3A_106 = vector.extract_strided_slice %transpose3A {offsets = [0, 21], sizes = [128, 1], strides = [1, 1]} : vector<128x50xi32> to vector<128x1xi32>
    %eq3A_107 = vector.broadcast %slice3A_106 : vector<128x1xi32> to vector<128x64xi32>
    %eq3A_108 = arith.cmpi eq, %eq3A_107, %iota3A : vector<128x64xi32>
    %convert_element_type3A_109 = arith.extui %eq3A_108 : vector<128x64xi1> to vector<128x64xi32>
    %convert_element_type3A_110 = arith.sitofp %convert_element_type3A_109 : vector<128x64xi32> to vector<128x64xf32>
    %slice3A_111 = vector.extract_strided_slice %transpose3A {offsets = [0, 22], sizes = [128, 1], strides = [1, 1]} : vector<128x50xi32> to vector<128x1xi32>
    %eq3A_112 = vector.broadcast %slice3A_111 : vector<128x1xi32> to vector<128x64xi32>
    %eq3A_113 = arith.cmpi eq, %eq3A_112, %iota3A : vector<128x64xi32>
    %convert_element_type3A_114 = arith.extui %eq3A_113 : vector<128x64xi1> to vector<128x64xi32>
    %convert_element_type3A_115 = arith.sitofp %convert_element_type3A_114 : vector<128x64xi32> to vector<128x64xf32>
    %slice3A_116 = vector.extract_strided_slice %transpose3A {offsets = [0, 23], sizes = [128, 1], strides = [1, 1]} : vector<128x50xi32> to vector<128x1xi32>
    %eq3A_117 = vector.broadcast %slice3A_116 : vector<128x1xi32> to vector<128x64xi32>
    %eq3A_118 = arith.cmpi eq, %eq3A_117, %iota3A : vector<128x64xi32>
    %convert_element_type3A_119 = arith.extui %eq3A_118 : vector<128x64xi1> to vector<128x64xi32>
    %convert_element_type3A_120 = arith.sitofp %convert_element_type3A_119 : vector<128x64xi32> to vector<128x64xf32>
    %slice3A_121 = vector.extract_strided_slice %transpose3A {offsets = [0, 24], sizes = [128, 1], strides = [1, 1]} : vector<128x50xi32> to vector<128x1xi32>
    %eq3A_122 = vector.broadcast %slice3A_121 : vector<128x1xi32> to vector<128x64xi32>
    %eq3A_123 = arith.cmpi eq, %eq3A_122, %iota3A : vector<128x64xi32>
    %convert_element_type3A_124 = arith.extui %eq3A_123 : vector<128x64xi1> to vector<128x64xi32>
    %convert_element_type3A_125 = arith.sitofp %convert_element_type3A_124 : vector<128x64xi32> to vector<128x64xf32>
    %slice3A_126 = vector.extract_strided_slice %transpose3A {offsets = [0, 25], sizes = [128, 1], strides = [1, 1]} : vector<128x50xi32> to vector<128x1xi32>
    %eq3A_127 = vector.broadcast %slice3A_126 : vector<128x1xi32> to vector<128x64xi32>
    %eq3A_128 = arith.cmpi eq, %eq3A_127, %iota3A : vector<128x64xi32>
    %convert_element_type3A_129 = arith.extui %eq3A_128 : vector<128x64xi1> to vector<128x64xi32>
    %convert_element_type3A_130 = arith.sitofp %convert_element_type3A_129 : vector<128x64xi32> to vector<128x64xf32>
    %slice3A_131 = vector.extract_strided_slice %transpose3A {offsets = [0, 26], sizes = [128, 1], strides = [1, 1]} : vector<128x50xi32> to vector<128x1xi32>
    %eq3A_132 = vector.broadcast %slice3A_131 : vector<128x1xi32> to vector<128x64xi32>
    %eq3A_133 = arith.cmpi eq, %eq3A_132, %iota3A : vector<128x64xi32>
    %convert_element_type3A_134 = arith.extui %eq3A_133 : vector<128x64xi1> to vector<128x64xi32>
    %convert_element_type3A_135 = arith.sitofp %convert_element_type3A_134 : vector<128x64xi32> to vector<128x64xf32>
    %slice3A_136 = vector.extract_strided_slice %transpose3A {offsets = [0, 27], sizes = [128, 1], strides = [1, 1]} : vector<128x50xi32> to vector<128x1xi32>
    %eq3A_137 = vector.broadcast %slice3A_136 : vector<128x1xi32> to vector<128x64xi32>
    %eq3A_138 = arith.cmpi eq, %eq3A_137, %iota3A : vector<128x64xi32>
    %convert_element_type3A_139 = arith.extui %eq3A_138 : vector<128x64xi1> to vector<128x64xi32>
    %convert_element_type3A_140 = arith.sitofp %convert_element_type3A_139 : vector<128x64xi32> to vector<128x64xf32>
    %slice3A_141 = vector.extract_strided_slice %transpose3A {offsets = [0, 28], sizes = [128, 1], strides = [1, 1]} : vector<128x50xi32> to vector<128x1xi32>
    %eq3A_142 = vector.broadcast %slice3A_141 : vector<128x1xi32> to vector<128x64xi32>
    %eq3A_143 = arith.cmpi eq, %eq3A_142, %iota3A : vector<128x64xi32>
    %convert_element_type3A_144 = arith.extui %eq3A_143 : vector<128x64xi1> to vector<128x64xi32>
    %convert_element_type3A_145 = arith.sitofp %convert_element_type3A_144 : vector<128x64xi32> to vector<128x64xf32>
    %slice3A_146 = vector.extract_strided_slice %transpose3A {offsets = [0, 29], sizes = [128, 1], strides = [1, 1]} : vector<128x50xi32> to vector<128x1xi32>
    %eq3A_147 = vector.broadcast %slice3A_146 : vector<128x1xi32> to vector<128x64xi32>
    %eq3A_148 = arith.cmpi eq, %eq3A_147, %iota3A : vector<128x64xi32>
    %convert_element_type3A_149 = arith.extui %eq3A_148 : vector<128x64xi1> to vector<128x64xi32>
    %convert_element_type3A_150 = arith.sitofp %convert_element_type3A_149 : vector<128x64xi32> to vector<128x64xf32>
    %slice3A_151 = vector.extract_strided_slice %transpose3A {offsets = [0, 30], sizes = [128, 1], strides = [1, 1]} : vector<128x50xi32> to vector<128x1xi32>
    %eq3A_152 = vector.broadcast %slice3A_151 : vector<128x1xi32> to vector<128x64xi32>
    %eq3A_153 = arith.cmpi eq, %eq3A_152, %iota3A : vector<128x64xi32>
    %convert_element_type3A_154 = arith.extui %eq3A_153 : vector<128x64xi1> to vector<128x64xi32>
    %convert_element_type3A_155 = arith.sitofp %convert_element_type3A_154 : vector<128x64xi32> to vector<128x64xf32>
    %slice3A_156 = vector.extract_strided_slice %transpose3A {offsets = [0, 31], sizes = [128, 1], strides = [1, 1]} : vector<128x50xi32> to vector<128x1xi32>
    %eq3A_157 = vector.broadcast %slice3A_156 : vector<128x1xi32> to vector<128x64xi32>
    %eq3A_158 = arith.cmpi eq, %eq3A_157, %iota3A : vector<128x64xi32>
    %convert_element_type3A_159 = arith.extui %eq3A_158 : vector<128x64xi1> to vector<128x64xi32>
    %convert_element_type3A_160 = arith.sitofp %convert_element_type3A_159 : vector<128x64xi32> to vector<128x64xf32>
    %slice3A_161 = vector.extract_strided_slice %transpose3A {offsets = [0, 32], sizes = [128, 1], strides = [1, 1]} : vector<128x50xi32> to vector<128x1xi32>
    %eq3A_162 = vector.broadcast %slice3A_161 : vector<128x1xi32> to vector<128x64xi32>
    %eq3A_163 = arith.cmpi eq, %eq3A_162, %iota3A : vector<128x64xi32>
    %convert_element_type3A_164 = arith.extui %eq3A_163 : vector<128x64xi1> to vector<128x64xi32>
    %convert_element_type3A_165 = arith.sitofp %convert_element_type3A_164 : vector<128x64xi32> to vector<128x64xf32>
    %slice3A_166 = vector.extract_strided_slice %transpose3A {offsets = [0, 33], sizes = [128, 1], strides = [1, 1]} : vector<128x50xi32> to vector<128x1xi32>
    %eq3A_167 = vector.broadcast %slice3A_166 : vector<128x1xi32> to vector<128x64xi32>
    %eq3A_168 = arith.cmpi eq, %eq3A_167, %iota3A : vector<128x64xi32>
    %convert_element_type3A_169 = arith.extui %eq3A_168 : vector<128x64xi1> to vector<128x64xi32>
    %convert_element_type3A_170 = arith.sitofp %convert_element_type3A_169 : vector<128x64xi32> to vector<128x64xf32>
    %slice3A_171 = vector.extract_strided_slice %transpose3A {offsets = [0, 34], sizes = [128, 1], strides = [1, 1]} : vector<128x50xi32> to vector<128x1xi32>
    %eq3A_172 = vector.broadcast %slice3A_171 : vector<128x1xi32> to vector<128x64xi32>
    %eq3A_173 = arith.cmpi eq, %eq3A_172, %iota3A : vector<128x64xi32>
    %convert_element_type3A_174 = arith.extui %eq3A_173 : vector<128x64xi1> to vector<128x64xi32>
    %convert_element_type3A_175 = arith.sitofp %convert_element_type3A_174 : vector<128x64xi32> to vector<128x64xf32>
    %slice3A_176 = vector.extract_strided_slice %transpose3A {offsets = [0, 35], sizes = [128, 1], strides = [1, 1]} : vector<128x50xi32> to vector<128x1xi32>
    %eq3A_177 = vector.broadcast %slice3A_176 : vector<128x1xi32> to vector<128x64xi32>
    %eq3A_178 = arith.cmpi eq, %eq3A_177, %iota3A : vector<128x64xi32>
    %convert_element_type3A_179 = arith.extui %eq3A_178 : vector<128x64xi1> to vector<128x64xi32>
    %convert_element_type3A_180 = arith.sitofp %convert_element_type3A_179 : vector<128x64xi32> to vector<128x64xf32>
    %slice3A_181 = vector.extract_strided_slice %transpose3A {offsets = [0, 36], sizes = [128, 1], strides = [1, 1]} : vector<128x50xi32> to vector<128x1xi32>
    %eq3A_182 = vector.broadcast %slice3A_181 : vector<128x1xi32> to vector<128x64xi32>
    %eq3A_183 = arith.cmpi eq, %eq3A_182, %iota3A : vector<128x64xi32>
    %convert_element_type3A_184 = arith.extui %eq3A_183 : vector<128x64xi1> to vector<128x64xi32>
    %convert_element_type3A_185 = arith.sitofp %convert_element_type3A_184 : vector<128x64xi32> to vector<128x64xf32>
    %slice3A_186 = vector.extract_strided_slice %transpose3A {offsets = [0, 37], sizes = [128, 1], strides = [1, 1]} : vector<128x50xi32> to vector<128x1xi32>
    %eq3A_187 = vector.broadcast %slice3A_186 : vector<128x1xi32> to vector<128x64xi32>
    %eq3A_188 = arith.cmpi eq, %eq3A_187, %iota3A : vector<128x64xi32>
    %convert_element_type3A_189 = arith.extui %eq3A_188 : vector<128x64xi1> to vector<128x64xi32>
    %convert_element_type3A_190 = arith.sitofp %convert_element_type3A_189 : vector<128x64xi32> to vector<128x64xf32>
    %slice3A_191 = vector.extract_strided_slice %transpose3A {offsets = [0, 38], sizes = [128, 1], strides = [1, 1]} : vector<128x50xi32> to vector<128x1xi32>
    %eq3A_192 = vector.broadcast %slice3A_191 : vector<128x1xi32> to vector<128x64xi32>
    %eq3A_193 = arith.cmpi eq, %eq3A_192, %iota3A : vector<128x64xi32>
    %convert_element_type3A_194 = arith.extui %eq3A_193 : vector<128x64xi1> to vector<128x64xi32>
    %convert_element_type3A_195 = arith.sitofp %convert_element_type3A_194 : vector<128x64xi32> to vector<128x64xf32>
    %slice3A_196 = vector.extract_strided_slice %transpose3A {offsets = [0, 39], sizes = [128, 1], strides = [1, 1]} : vector<128x50xi32> to vector<128x1xi32>
    %eq3A_197 = vector.broadcast %slice3A_196 : vector<128x1xi32> to vector<128x64xi32>
    %eq3A_198 = arith.cmpi eq, %eq3A_197, %iota3A : vector<128x64xi32>
    %convert_element_type3A_199 = arith.extui %eq3A_198 : vector<128x64xi1> to vector<128x64xi32>
    %convert_element_type3A_200 = arith.sitofp %convert_element_type3A_199 : vector<128x64xi32> to vector<128x64xf32>
    %slice3A_201 = vector.extract_strided_slice %transpose3A {offsets = [0, 40], sizes = [128, 1], strides = [1, 1]} : vector<128x50xi32> to vector<128x1xi32>
    %eq3A_202 = vector.broadcast %slice3A_201 : vector<128x1xi32> to vector<128x64xi32>
    %eq3A_203 = arith.cmpi eq, %eq3A_202, %iota3A : vector<128x64xi32>
    %convert_element_type3A_204 = arith.extui %eq3A_203 : vector<128x64xi1> to vector<128x64xi32>
    %convert_element_type3A_205 = arith.sitofp %convert_element_type3A_204 : vector<128x64xi32> to vector<128x64xf32>
    %slice3A_206 = vector.extract_strided_slice %transpose3A {offsets = [0, 41], sizes = [128, 1], strides = [1, 1]} : vector<128x50xi32> to vector<128x1xi32>
    %eq3A_207 = vector.broadcast %slice3A_206 : vector<128x1xi32> to vector<128x64xi32>
    %eq3A_208 = arith.cmpi eq, %eq3A_207, %iota3A : vector<128x64xi32>
    %convert_element_type3A_209 = arith.extui %eq3A_208 : vector<128x64xi1> to vector<128x64xi32>
    %convert_element_type3A_210 = arith.sitofp %convert_element_type3A_209 : vector<128x64xi32> to vector<128x64xf32>
    %slice3A_211 = vector.extract_strided_slice %transpose3A {offsets = [0, 42], sizes = [128, 1], strides = [1, 1]} : vector<128x50xi32> to vector<128x1xi32>
    %eq3A_212 = vector.broadcast %slice3A_211 : vector<128x1xi32> to vector<128x64xi32>
    %eq3A_213 = arith.cmpi eq, %eq3A_212, %iota3A : vector<128x64xi32>
    %convert_element_type3A_214 = arith.extui %eq3A_213 : vector<128x64xi1> to vector<128x64xi32>
    %convert_element_type3A_215 = arith.sitofp %convert_element_type3A_214 : vector<128x64xi32> to vector<128x64xf32>
    %slice3A_216 = vector.extract_strided_slice %transpose3A {offsets = [0, 43], sizes = [128, 1], strides = [1, 1]} : vector<128x50xi32> to vector<128x1xi32>
    %eq3A_217 = vector.broadcast %slice3A_216 : vector<128x1xi32> to vector<128x64xi32>
    %eq3A_218 = arith.cmpi eq, %eq3A_217, %iota3A : vector<128x64xi32>
    %convert_element_type3A_219 = arith.extui %eq3A_218 : vector<128x64xi1> to vector<128x64xi32>
    %convert_element_type3A_220 = arith.sitofp %convert_element_type3A_219 : vector<128x64xi32> to vector<128x64xf32>
    %slice3A_221 = vector.extract_strided_slice %transpose3A {offsets = [0, 44], sizes = [128, 1], strides = [1, 1]} : vector<128x50xi32> to vector<128x1xi32>
    %eq3A_222 = vector.broadcast %slice3A_221 : vector<128x1xi32> to vector<128x64xi32>
    %eq3A_223 = arith.cmpi eq, %eq3A_222, %iota3A : vector<128x64xi32>
    %convert_element_type3A_224 = arith.extui %eq3A_223 : vector<128x64xi1> to vector<128x64xi32>
    %convert_element_type3A_225 = arith.sitofp %convert_element_type3A_224 : vector<128x64xi32> to vector<128x64xf32>
    %slice3A_226 = vector.extract_strided_slice %transpose3A {offsets = [0, 45], sizes = [128, 1], strides = [1, 1]} : vector<128x50xi32> to vector<128x1xi32>
    %eq3A_227 = vector.broadcast %slice3A_226 : vector<128x1xi32> to vector<128x64xi32>
    %eq3A_228 = arith.cmpi eq, %eq3A_227, %iota3A : vector<128x64xi32>
    %convert_element_type3A_229 = arith.extui %eq3A_228 : vector<128x64xi1> to vector<128x64xi32>
    %convert_element_type3A_230 = arith.sitofp %convert_element_type3A_229 : vector<128x64xi32> to vector<128x64xf32>
    %slice3A_231 = vector.extract_strided_slice %transpose3A {offsets = [0, 46], sizes = [128, 1], strides = [1, 1]} : vector<128x50xi32> to vector<128x1xi32>
    %eq3A_232 = vector.broadcast %slice3A_231 : vector<128x1xi32> to vector<128x64xi32>
    %eq3A_233 = arith.cmpi eq, %eq3A_232, %iota3A : vector<128x64xi32>
    %convert_element_type3A_234 = arith.extui %eq3A_233 : vector<128x64xi1> to vector<128x64xi32>
    %convert_element_type3A_235 = arith.sitofp %convert_element_type3A_234 : vector<128x64xi32> to vector<128x64xf32>
    %slice3A_236 = vector.extract_strided_slice %transpose3A {offsets = [0, 47], sizes = [128, 1], strides = [1, 1]} : vector<128x50xi32> to vector<128x1xi32>
    %eq3A_237 = vector.broadcast %slice3A_236 : vector<128x1xi32> to vector<128x64xi32>
    %eq3A_238 = arith.cmpi eq, %eq3A_237, %iota3A : vector<128x64xi32>
    %convert_element_type3A_239 = arith.extui %eq3A_238 : vector<128x64xi1> to vector<128x64xi32>
    %convert_element_type3A_240 = arith.sitofp %convert_element_type3A_239 : vector<128x64xi32> to vector<128x64xf32>
    %slice3A_241 = vector.extract_strided_slice %transpose3A {offsets = [0, 48], sizes = [128, 1], strides = [1, 1]} : vector<128x50xi32> to vector<128x1xi32>
    %eq3A_242 = vector.broadcast %slice3A_241 : vector<128x1xi32> to vector<128x64xi32>
    %eq3A_243 = arith.cmpi eq, %eq3A_242, %iota3A : vector<128x64xi32>
    %convert_element_type3A_244 = arith.extui %eq3A_243 : vector<128x64xi1> to vector<128x64xi32>
    %convert_element_type3A_245 = arith.sitofp %convert_element_type3A_244 : vector<128x64xi32> to vector<128x64xf32>
    %slice3A_246 = vector.extract_strided_slice %transpose3A {offsets = [0, 49], sizes = [128, 1], strides = [1, 1]} : vector<128x50xi32> to vector<128x1xi32>
    %eq3A_247 = vector.broadcast %slice3A_246 : vector<128x1xi32> to vector<128x64xi32>
    %eq3A_248 = arith.cmpi eq, %eq3A_247, %iota3A : vector<128x64xi32>
    %convert_element_type3A_249 = arith.extui %eq3A_248 : vector<128x64xi1> to vector<128x64xi32>
    %convert_element_type3A_250 = arith.sitofp %convert_element_type3A_249 : vector<128x64xi32> to vector<128x64xf32>
    %concatenate3A = tpu.concatenate %convert_element_type3A_5, %convert_element_type3A_10, %convert_element_type3A_15, %convert_element_type3A_20, %convert_element_type3A_25, %convert_element_type3A_30, %convert_element_type3A_35, %convert_element_type3A_40, %convert_element_type3A_45, %convert_element_type3A_50, %convert_element_type3A_55, %convert_element_type3A_60, %convert_element_type3A_65, %convert_element_type3A_70, %convert_element_type3A_75, %convert_element_type3A_80, %convert_element_type3A_85, %convert_element_type3A_90, %convert_element_type3A_95, %convert_element_type3A_100, %convert_element_type3A_105, %convert_element_type3A_110, %convert_element_type3A_115, %convert_element_type3A_120, %convert_element_type3A_125, %convert_element_type3A_130, %convert_element_type3A_135, %convert_element_type3A_140, %convert_element_type3A_145, %convert_element_type3A_150, %convert_element_type3A_155, %convert_element_type3A_160, %convert_element_type3A_165, %convert_element_type3A_170, %convert_element_type3A_175, %convert_element_type3A_180, %convert_element_type3A_185, %convert_element_type3A_190, %convert_element_type3A_195, %convert_element_type3A_200, %convert_element_type3A_205, %convert_element_type3A_210, %convert_element_type3A_215, %convert_element_type3A_220, %convert_element_type3A_225, %convert_element_type3A_230, %convert_element_type3A_235, %convert_element_type3A_240, %convert_element_type3A_245, %convert_element_type3A_250 in 0 : vector<128x64xf32>, vector<128x64xf32>, vector<128x64xf32>, vector<128x64xf32>, vector<128x64xf32>, vector<128x64xf32>, vector<128x64xf32>, vector<128x64xf32>, vector<128x64xf32>, vector<128x64xf32>, vector<128x64xf32>, vector<128x64xf32>, vector<128x64xf32>, vector<128x64xf32>, vector<128x64xf32>, vector<128x64xf32>, vector<128x64xf32>, vector<128x64xf32>, vector<128x64xf32>, vector<128x64xf32>, vector<128x64xf32>, vector<128x64xf32>, vector<128x64xf32>, vector<128x64xf32>, vector<128x64xf32>, vector<128x64xf32>, vector<128x64xf32>, vector<128x64xf32>, vector<128x64xf32>, vector<128x64xf32>, vector<128x64xf32>, vector<128x64xf32>, vector<128x64xf32>, vector<128x64xf32>, vector<128x64xf32>, vector<128x64xf32>, vector<128x64xf32>, vector<128x64xf32>, vector<128x64xf32>, vector<128x64xf32>, vector<128x64xf32>, vector<128x64xf32>, vector<128x64xf32>, vector<128x64xf32>, vector<128x64xf32>, vector<128x64xf32>, vector<128x64xf32>, vector<128x64xf32>, vector<128x64xf32>, vector<128x64xf32> -> vector<6400x64xf32>
    %get3A_251 = arith.constant 0 : index
    %get3A_252 = arith.constant 0 : index
    %get3A_253 = vector.load %arg3[%get3A_251, %get3A_252] : memref<64x128xf32, #tpu.memory_space<vmem>>, vector<64x128xf32>
    %dot_general3A = arith.constant dense<0.000000e+00> : vector<6400x128xf32>
    %dot_general3A_254 = tpu.matmul %concatenate3A, %get3A_253, %dot_general3A {dimension_numbers = #tpu.dot_dimension_numbers<[1], [0], [0], [1], [0, 0, 1, 1], [], []>, transpose_lhs_hint = false} : vector<6400x64xf32>, vector<64x128xf32>, vector<6400x128xf32> -> vector<6400x128xf32>
    %get3A_255 = arith.constant 0 : index
    %get3A_256 = arith.constant 0 : index
    %get3A_257 = vector.load %arg2[%get3A_255, %get3A_256] : memref<6400x128xf32, #tpu.memory_space<vmem>>, vector<6400x128xf32>
    %mul3A = arith.mulf %dot_general3A_254, %get3A_257 : vector<6400x128xf32>
    %get3A_258 = arith.constant 0 : index
    %get3A_259 = arith.constant 0 : index
    %get3A_260 = vector.load %arg4[%get3A_258, %get3A_259] : memref<128x128xf32, #tpu.memory_space<vmem>>, vector<128x128xf32>
    %dot_general3A_261 = arith.constant dense<0.000000e+00> : vector<6400x128xf32>
    %dot_general3A_262 = tpu.matmul %mul3A, %get3A_260, %dot_general3A_261 {dimension_numbers = #tpu.dot_dimension_numbers<[1], [0], [0], [1], [0, 0, 1, 1], [], []>, transpose_lhs_hint = false} : vector<6400x128xf32>, vector<128x128xf32>, vector<6400x128xf32> -> vector<6400x128xf32>
    %gt3A = arith.constant 0.000000e+00 : f32
    %gt3A_263 = vector.broadcast %gt3A : f32 to vector<6400x128xf32>
    %gt3A_264 = arith.cmpf ogt, %dot_general3A_262, %gt3A_263 : vector<6400x128xf32>
    %exp3A = math.exp %dot_general3A_262 : vector<6400x128xf32>
    %sub3A = arith.constant 1.000000e+00 : f32
    %sub3A_265 = vector.broadcast %sub3A : f32 to vector<6400x128xf32>
    %sub3A_266 = arith.subf %exp3A, %sub3A_265 : vector<6400x128xf32>
    %select_n3A = arith.select %gt3A_264, %dot_general3A_262, %sub3A_266 : vector<6400x128xi1>, vector<6400x128xf32>
    %get3A_267 = arith.constant 0 : index
    %get3A_268 = arith.constant 0 : index
    %get3A_269 = vector.load %arg5[%get3A_267, %get3A_268] : memref<1x128xf32, #tpu.memory_space<vmem>>, vector<1x128xf32>
    %mul3A_270 = vector.broadcast %get3A_269 : vector<1x128xf32> to vector<6400x128xf32>
    %mul3A_271 = arith.mulf %select_n3A, %mul3A_270 : vector<6400x128xf32>
    %reduce_sum3A = arith.constant dense<0.000000e+00> : vector<6400xf32>
    %reduce_sum3A_272 = vector.multi_reduction <add>, %mul3A_271, %reduce_sum3A [1] : vector<6400x128xf32> to vector<6400xf32>
    %reshape3A = vector.shape_cast %reduce_sum3A_272 : vector<6400xf32> to vector<1x50x128xf32>
    %swap3A = arith.constant 0 : index
    %swap3A_273 = arith.constant 0 : index
    %swap3A_274 = arith.constant 0 : index
    %swap3A_275 = vector.load %arg6[%swap3A, %swap3A_273, %swap3A_274] : memref<1x50x128xf32, #tpu.memory_space<vmem>>, vector<1x50x128xf32>
    tpu.vector_store %arg6[%swap3A, %swap3A_273, %swap3A_274], %reshape3A {strides = array<i32>} : memref<1x50x128xf32, #tpu.memory_space<vmem>>, vector<1x50x128xf32>,
    return
  }
  func.func @transform_0(%arg0: i32) -> (i32, i32, i32) {
    %c0_i32 = arith.constant 0 : i32
    %c0_i32_0 = arith.constant 0 : i32
    %c0_i32_1 = arith.constant 0 : i32
    return %arg0, %c0_i32, %c0_i32_0 : i32, i32, i32
  }
  func.func @transform_1(%arg0: i32) -> (i32, i32) {
    %c0_i32 = arith.constant 0 : i32
    %c0_i32_0 = arith.constant 0 : i32
    return %arg0, %c0_i32 : i32, i32
  }
  func.func @transform_2(%arg0: i32) -> (i32, i32) {
    %c0_i32 = arith.constant 0 : i32
    %c0_i32_0 = arith.constant 0 : i32
    %c0_i32_1 = arith.constant 0 : i32
    return %c0_i32, %c0_i32_0 : i32, i32
  }
  func.func @transform_3(%arg0: i32) -> (i32, i32) {
    %c0_i32 = arith.constant 0 : i32
    %c0_i32_0 = arith.constant 0 : i32
    %c0_i32_1 = arith.constant 0 : i32
    return %c0_i32, %c0_i32_0 : i32, i32
  }
  func.func @transform_4(%arg0: i32) -> (i32, i32) {
    %c0_i32 = arith.constant 0 : i32
    %c0_i32_0 = arith.constant 0 : i32
    %c0_i32_1 = arith.constant 0 : i32
    return %c0_i32, %c0_i32_0 : i32, i32
  }
  func.func @transform_5(%arg0: i32) -> (i32, i32, i32) {
    %c0_i32 = arith.constant 0 : i32
    %c0_i32_0 = arith.constant 0 : i32
    %c0_i32_1 = arith.constant 0 : i32
    return %arg0, %c0_i32, %c0_i32_0 : i32, i32, i32
  }
}

module attributes {stable_mosaic.version = 14 : i64} {
  func.func @_node_body(%arg0: i32, %arg1: memref<1000x1xi32, #tpu.memory_space<vmem>>, %arg2: memref<1000x8x128xf32, #tpu.memory_space<vmem>>, %arg3: memref<64x128xf32, #tpu.memory_space<vmem>>, %arg4: memref<64x8xf32, #tpu.memory_space<vmem>>, %arg5: memref<8x128x128xf32, #tpu.memory_space<vmem>>, %arg6: memref<1x128xf32, #tpu.memory_space<vmem>>, %arg7: memref<1x1x1000xf32, #tpu.memory_space<vmem>>) attributes {dimension_semantics = [#tpu.dimension_semantics<arbitrary>], iteration_bounds = array<i64: 10>, scalar_prefetch = 0 : i64, scratch_operands = 0 : i64, tpu.core_type = #tpu.core_type<tc>, window_params = [{transform_indices = @transform_0, window_bounds = array<i64: 1000, 1>}, {transform_indices = @transform_1, window_bounds = array<i64: 1000, 8, 128>}, {pipeline_mode = #tpu.pipeline_mode<synchronous>, transform_indices = @transform_2, window_bounds = array<i64: 64, 128>}, {pipeline_mode = #tpu.pipeline_mode<synchronous>, transform_indices = @transform_3, window_bounds = array<i64: 64, 8>}, {pipeline_mode = #tpu.pipeline_mode<synchronous>, transform_indices = @transform_4, window_bounds = array<i64: 8, 128, 128>}, {pipeline_mode = #tpu.pipeline_mode<synchronous>, transform_indices = @transform_5, window_bounds = array<i64: 1, 128>}, {transform_indices = @transform_6, window_bounds = array<i64: 1, 1, 1000>}]} {
    %get3A = arith.constant 0 : index
    %get3A_0 = arith.constant 0 : index
    %get3A_1 = vector.load %arg1[%get3A, %get3A_0] : memref<1000x1xi32, #tpu.memory_space<vmem>>, vector<1000x1xi32>
    %iota3A = tpu.iota {dimensions = array<i32: 1>} : vector<1000x64xi32>
    %eq3A = vector.broadcast %get3A_1 : vector<1000x1xi32> to vector<1000x64xi32>
    %eq3A_2 = arith.cmpi eq, %eq3A, %iota3A : vector<1000x64xi32>
    %convert_element_type3A = arith.extui %eq3A_2 : vector<1000x64xi1> to vector<1000x64xi32>
    %convert_element_type3A_3 = arith.sitofp %convert_element_type3A : vector<1000x64xi32> to vector<1000x64xf32>
    %get3A_4 = arith.constant 0 : index
    %get3A_5 = arith.constant 0 : index
    %get3A_6 = vector.load %arg3[%get3A_4, %get3A_5] : memref<64x128xf32, #tpu.memory_space<vmem>>, vector<64x128xf32>
    %convert_element_type3A_7 = arith.truncf %get3A_6 : vector<64x128xf32> to vector<64x128xbf16>
    %convert_element_type3A_8 = arith.extf %convert_element_type3A_7 : vector<64x128xbf16> to vector<64x128xf32>
    %dot_general3A = arith.constant dense<0.000000e+00> : vector<1000x128xf32>
    %dot_general3A_9 = tpu.matmul %convert_element_type3A_3, %convert_element_type3A_8, %dot_general3A {dimension_numbers = #tpu.dot_dimension_numbers<[1], [0], [0], [1], [0, 0, 1, 1], [], []>, transpose_lhs_hint = false} : vector<1000x64xf32>, vector<64x128xf32>, vector<1000x128xf32> -> vector<1000x128xf32>
    %sub3A = arith.subf %get3A_6, %convert_element_type3A_8 : vector<64x128xf32>
    %dot_general3A_10 = arith.constant dense<0.000000e+00> : vector<1000x128xf32>
    %dot_general3A_11 = tpu.matmul %convert_element_type3A_3, %sub3A, %dot_general3A_10 {dimension_numbers = #tpu.dot_dimension_numbers<[1], [0], [0], [1], [0, 0, 1, 1], [], []>, transpose_lhs_hint = false} : vector<1000x64xf32>, vector<64x128xf32>, vector<1000x128xf32> -> vector<1000x128xf32>
    %add3A = arith.addf %dot_general3A_9, %dot_general3A_11 : vector<1000x128xf32>
    %get3A_12 = arith.constant 0 : index
    %get3A_13 = arith.constant 0 : index
    %get3A_14 = vector.load %arg4[%get3A_12, %get3A_13] : memref<64x8xf32, #tpu.memory_space<vmem>>, vector<64x8xf32>
    %convert_element_type3A_15 = arith.truncf %get3A_14 : vector<64x8xf32> to vector<64x8xbf16>
    %convert_element_type3A_16 = arith.extf %convert_element_type3A_15 : vector<64x8xbf16> to vector<64x8xf32>
    %dot_general3A_17 = arith.constant dense<0.000000e+00> : vector<1000x8xf32>
    %dot_general3A_18 = tpu.matmul %convert_element_type3A_3, %convert_element_type3A_16, %dot_general3A_17 {dimension_numbers = #tpu.dot_dimension_numbers<[1], [0], [0], [1], [0, 0, 1, 1], [], []>, transpose_lhs_hint = false} : vector<1000x64xf32>, vector<64x8xf32>, vector<1000x8xf32> -> vector<1000x8xf32>
    %sub3A_19 = arith.subf %get3A_14, %convert_element_type3A_16 : vector<64x8xf32>
    %dot_general3A_20 = arith.constant dense<0.000000e+00> : vector<1000x8xf32>
    %dot_general3A_21 = tpu.matmul %convert_element_type3A_3, %sub3A_19, %dot_general3A_20 {dimension_numbers = #tpu.dot_dimension_numbers<[1], [0], [0], [1], [0, 0, 1, 1], [], []>, transpose_lhs_hint = false} : vector<1000x64xf32>, vector<64x8xf32>, vector<1000x8xf32> -> vector<1000x8xf32>
    %add3A_22 = arith.addf %dot_general3A_18, %dot_general3A_21 : vector<1000x8xf32>
    %broadcast_in_dim3A = arith.constant 0.000000e+00 : f32
    %broadcast_in_dim3A_23 = vector.broadcast %broadcast_in_dim3A : f32 to vector<1000x128xf32>
    %slice3A = vector.extract_strided_slice %add3A_22 {offsets = [0, 0], sizes = [1000, 1], strides = [1, 1]} : vector<1000x8xf32> to vector<1000x1xf32>
    %mul3A = vector.broadcast %slice3A : vector<1000x1xf32> to vector<1000x128xf32>
    %mul3A_24 = arith.mulf %mul3A, %add3A : vector<1000x128xf32>
    %get3A_25 = arith.constant 0 : index
    %get3A_26 = arith.constant 0 : index
    %get3A_27 = arith.constant 0 : index
    %get3A_28 = vector.load %arg2[%get3A_25, %get3A_26, %get3A_27] : memref<1000x8x128xf32, #tpu.memory_space<vmem>>, vector<1000x1x128xf32>
    %get3A_29 = vector.shape_cast %get3A_28 : vector<1000x1x128xf32> to vector<1000x128xf32>
    %mul3A_30 = arith.mulf %mul3A_24, %get3A_29 : vector<1000x128xf32>
    %get3A_31 = arith.constant 0 : index
    %get3A_32 = arith.constant 0 : index
    %get3A_33 = arith.constant 0 : index
    %get3A_34 = vector.load %arg5[%get3A_31, %get3A_32, %get3A_33] : memref<8x128x128xf32, #tpu.memory_space<vmem>>, vector<1x128x128xf32>
    %get3A_35 = vector.shape_cast %get3A_34 : vector<1x128x128xf32> to vector<128x128xf32>
    %dot_general3A_36 = arith.constant dense<0.000000e+00> : vector<1000x128xf32>
    %dot_general3A_37 = tpu.matmul %mul3A_30, %get3A_35, %dot_general3A_36 {dimension_numbers = #tpu.dot_dimension_numbers<[1], [0], [0], [1], [0, 0, 1, 1], [], []>, transpose_lhs_hint = false} : vector<1000x128xf32>, vector<128x128xf32>, vector<1000x128xf32> -> vector<1000x128xf32>
    %add3A_38 = arith.addf %broadcast_in_dim3A_23, %dot_general3A_37 : vector<1000x128xf32>
    %slice3A_39 = vector.extract_strided_slice %add3A_22 {offsets = [0, 1], sizes = [1000, 1], strides = [1, 1]} : vector<1000x8xf32> to vector<1000x1xf32>
    %mul3A_40 = vector.broadcast %slice3A_39 : vector<1000x1xf32> to vector<1000x128xf32>
    %mul3A_41 = arith.mulf %mul3A_40, %add3A : vector<1000x128xf32>
    %get3A_42 = arith.constant 0 : index
    %get3A_43 = arith.constant 1 : index
    %get3A_44 = arith.constant 0 : index
    %get3A_45 = vector.load %arg2[%get3A_42, %get3A_43, %get3A_44] : memref<1000x8x128xf32, #tpu.memory_space<vmem>>, vector<1000x1x128xf32>
    %get3A_46 = vector.shape_cast %get3A_45 : vector<1000x1x128xf32> to vector<1000x128xf32>
    %mul3A_47 = arith.mulf %mul3A_41, %get3A_46 : vector<1000x128xf32>
    %get3A_48 = arith.constant 1 : index
    %get3A_49 = arith.constant 0 : index
    %get3A_50 = arith.constant 0 : index
    %get3A_51 = vector.load %arg5[%get3A_48, %get3A_49, %get3A_50] : memref<8x128x128xf32, #tpu.memory_space<vmem>>, vector<1x128x128xf32>
    %get3A_52 = vector.shape_cast %get3A_51 : vector<1x128x128xf32> to vector<128x128xf32>
    %dot_general3A_53 = arith.constant dense<0.000000e+00> : vector<1000x128xf32>
    %dot_general3A_54 = tpu.matmul %mul3A_47, %get3A_52, %dot_general3A_53 {dimension_numbers = #tpu.dot_dimension_numbers<[1], [0], [0], [1], [0, 0, 1, 1], [], []>, transpose_lhs_hint = false} : vector<1000x128xf32>, vector<128x128xf32>, vector<1000x128xf32> -> vector<1000x128xf32>
    %add3A_55 = arith.addf %add3A_38, %dot_general3A_54 : vector<1000x128xf32>
    %slice3A_56 = vector.extract_strided_slice %add3A_22 {offsets = [0, 2], sizes = [1000, 1], strides = [1, 1]} : vector<1000x8xf32> to vector<1000x1xf32>
    %mul3A_57 = vector.broadcast %slice3A_56 : vector<1000x1xf32> to vector<1000x128xf32>
    %mul3A_58 = arith.mulf %mul3A_57, %add3A : vector<1000x128xf32>
    %get3A_59 = arith.constant 0 : index
    %get3A_60 = arith.constant 2 : index
    %get3A_61 = arith.constant 0 : index
    %get3A_62 = vector.load %arg2[%get3A_59, %get3A_60, %get3A_61] : memref<1000x8x128xf32, #tpu.memory_space<vmem>>, vector<1000x1x128xf32>
    %get3A_63 = vector.shape_cast %get3A_62 : vector<1000x1x128xf32> to vector<1000x128xf32>
    %mul3A_64 = arith.mulf %mul3A_58, %get3A_63 : vector<1000x128xf32>
    %get3A_65 = arith.constant 2 : index
    %get3A_66 = arith.constant 0 : index
    %get3A_67 = arith.constant 0 : index
    %get3A_68 = vector.load %arg5[%get3A_65, %get3A_66, %get3A_67] : memref<8x128x128xf32, #tpu.memory_space<vmem>>, vector<1x128x128xf32>
    %get3A_69 = vector.shape_cast %get3A_68 : vector<1x128x128xf32> to vector<128x128xf32>
    %dot_general3A_70 = arith.constant dense<0.000000e+00> : vector<1000x128xf32>
    %dot_general3A_71 = tpu.matmul %mul3A_64, %get3A_69, %dot_general3A_70 {dimension_numbers = #tpu.dot_dimension_numbers<[1], [0], [0], [1], [0, 0, 1, 1], [], []>, transpose_lhs_hint = false} : vector<1000x128xf32>, vector<128x128xf32>, vector<1000x128xf32> -> vector<1000x128xf32>
    %add3A_72 = arith.addf %add3A_55, %dot_general3A_71 : vector<1000x128xf32>
    %slice3A_73 = vector.extract_strided_slice %add3A_22 {offsets = [0, 3], sizes = [1000, 1], strides = [1, 1]} : vector<1000x8xf32> to vector<1000x1xf32>
    %mul3A_74 = vector.broadcast %slice3A_73 : vector<1000x1xf32> to vector<1000x128xf32>
    %mul3A_75 = arith.mulf %mul3A_74, %add3A : vector<1000x128xf32>
    %get3A_76 = arith.constant 0 : index
    %get3A_77 = arith.constant 3 : index
    %get3A_78 = arith.constant 0 : index
    %get3A_79 = vector.load %arg2[%get3A_76, %get3A_77, %get3A_78] : memref<1000x8x128xf32, #tpu.memory_space<vmem>>, vector<1000x1x128xf32>
    %get3A_80 = vector.shape_cast %get3A_79 : vector<1000x1x128xf32> to vector<1000x128xf32>
    %mul3A_81 = arith.mulf %mul3A_75, %get3A_80 : vector<1000x128xf32>
    %get3A_82 = arith.constant 3 : index
    %get3A_83 = arith.constant 0 : index
    %get3A_84 = arith.constant 0 : index
    %get3A_85 = vector.load %arg5[%get3A_82, %get3A_83, %get3A_84] : memref<8x128x128xf32, #tpu.memory_space<vmem>>, vector<1x128x128xf32>
    %get3A_86 = vector.shape_cast %get3A_85 : vector<1x128x128xf32> to vector<128x128xf32>
    %dot_general3A_87 = arith.constant dense<0.000000e+00> : vector<1000x128xf32>
    %dot_general3A_88 = tpu.matmul %mul3A_81, %get3A_86, %dot_general3A_87 {dimension_numbers = #tpu.dot_dimension_numbers<[1], [0], [0], [1], [0, 0, 1, 1], [], []>, transpose_lhs_hint = false} : vector<1000x128xf32>, vector<128x128xf32>, vector<1000x128xf32> -> vector<1000x128xf32>
    %add3A_89 = arith.addf %add3A_72, %dot_general3A_88 : vector<1000x128xf32>
    %slice3A_90 = vector.extract_strided_slice %add3A_22 {offsets = [0, 4], sizes = [1000, 1], strides = [1, 1]} : vector<1000x8xf32> to vector<1000x1xf32>
    %mul3A_91 = vector.broadcast %slice3A_90 : vector<1000x1xf32> to vector<1000x128xf32>
    %mul3A_92 = arith.mulf %mul3A_91, %add3A : vector<1000x128xf32>
    %get3A_93 = arith.constant 0 : index
    %get3A_94 = arith.constant 4 : index
    %get3A_95 = arith.constant 0 : index
    %get3A_96 = vector.load %arg2[%get3A_93, %get3A_94, %get3A_95] : memref<1000x8x128xf32, #tpu.memory_space<vmem>>, vector<1000x1x128xf32>
    %get3A_97 = vector.shape_cast %get3A_96 : vector<1000x1x128xf32> to vector<1000x128xf32>
    %mul3A_98 = arith.mulf %mul3A_92, %get3A_97 : vector<1000x128xf32>
    %get3A_99 = arith.constant 4 : index
    %get3A_100 = arith.constant 0 : index
    %get3A_101 = arith.constant 0 : index
    %get3A_102 = vector.load %arg5[%get3A_99, %get3A_100, %get3A_101] : memref<8x128x128xf32, #tpu.memory_space<vmem>>, vector<1x128x128xf32>
    %get3A_103 = vector.shape_cast %get3A_102 : vector<1x128x128xf32> to vector<128x128xf32>
    %dot_general3A_104 = arith.constant dense<0.000000e+00> : vector<1000x128xf32>
    %dot_general3A_105 = tpu.matmul %mul3A_98, %get3A_103, %dot_general3A_104 {dimension_numbers = #tpu.dot_dimension_numbers<[1], [0], [0], [1], [0, 0, 1, 1], [], []>, transpose_lhs_hint = false} : vector<1000x128xf32>, vector<128x128xf32>, vector<1000x128xf32> -> vector<1000x128xf32>
    %add3A_106 = arith.addf %add3A_89, %dot_general3A_105 : vector<1000x128xf32>
    %slice3A_107 = vector.extract_strided_slice %add3A_22 {offsets = [0, 5], sizes = [1000, 1], strides = [1, 1]} : vector<1000x8xf32> to vector<1000x1xf32>
    %mul3A_108 = vector.broadcast %slice3A_107 : vector<1000x1xf32> to vector<1000x128xf32>
    %mul3A_109 = arith.mulf %mul3A_108, %add3A : vector<1000x128xf32>
    %get3A_110 = arith.constant 0 : index
    %get3A_111 = arith.constant 5 : index
    %get3A_112 = arith.constant 0 : index
    %get3A_113 = vector.load %arg2[%get3A_110, %get3A_111, %get3A_112] : memref<1000x8x128xf32, #tpu.memory_space<vmem>>, vector<1000x1x128xf32>
    %get3A_114 = vector.shape_cast %get3A_113 : vector<1000x1x128xf32> to vector<1000x128xf32>
    %mul3A_115 = arith.mulf %mul3A_109, %get3A_114 : vector<1000x128xf32>
    %get3A_116 = arith.constant 5 : index
    %get3A_117 = arith.constant 0 : index
    %get3A_118 = arith.constant 0 : index
    %get3A_119 = vector.load %arg5[%get3A_116, %get3A_117, %get3A_118] : memref<8x128x128xf32, #tpu.memory_space<vmem>>, vector<1x128x128xf32>
    %get3A_120 = vector.shape_cast %get3A_119 : vector<1x128x128xf32> to vector<128x128xf32>
    %dot_general3A_121 = arith.constant dense<0.000000e+00> : vector<1000x128xf32>
    %dot_general3A_122 = tpu.matmul %mul3A_115, %get3A_120, %dot_general3A_121 {dimension_numbers = #tpu.dot_dimension_numbers<[1], [0], [0], [1], [0, 0, 1, 1], [], []>, transpose_lhs_hint = false} : vector<1000x128xf32>, vector<128x128xf32>, vector<1000x128xf32> -> vector<1000x128xf32>
    %add3A_123 = arith.addf %add3A_106, %dot_general3A_122 : vector<1000x128xf32>
    %slice3A_124 = vector.extract_strided_slice %add3A_22 {offsets = [0, 6], sizes = [1000, 1], strides = [1, 1]} : vector<1000x8xf32> to vector<1000x1xf32>
    %mul3A_125 = vector.broadcast %slice3A_124 : vector<1000x1xf32> to vector<1000x128xf32>
    %mul3A_126 = arith.mulf %mul3A_125, %add3A : vector<1000x128xf32>
    %get3A_127 = arith.constant 0 : index
    %get3A_128 = arith.constant 6 : index
    %get3A_129 = arith.constant 0 : index
    %get3A_130 = vector.load %arg2[%get3A_127, %get3A_128, %get3A_129] : memref<1000x8x128xf32, #tpu.memory_space<vmem>>, vector<1000x1x128xf32>
    %get3A_131 = vector.shape_cast %get3A_130 : vector<1000x1x128xf32> to vector<1000x128xf32>
    %mul3A_132 = arith.mulf %mul3A_126, %get3A_131 : vector<1000x128xf32>
    %get3A_133 = arith.constant 6 : index
    %get3A_134 = arith.constant 0 : index
    %get3A_135 = arith.constant 0 : index
    %get3A_136 = vector.load %arg5[%get3A_133, %get3A_134, %get3A_135] : memref<8x128x128xf32, #tpu.memory_space<vmem>>, vector<1x128x128xf32>
    %get3A_137 = vector.shape_cast %get3A_136 : vector<1x128x128xf32> to vector<128x128xf32>
    %dot_general3A_138 = arith.constant dense<0.000000e+00> : vector<1000x128xf32>
    %dot_general3A_139 = tpu.matmul %mul3A_132, %get3A_137, %dot_general3A_138 {dimension_numbers = #tpu.dot_dimension_numbers<[1], [0], [0], [1], [0, 0, 1, 1], [], []>, transpose_lhs_hint = false} : vector<1000x128xf32>, vector<128x128xf32>, vector<1000x128xf32> -> vector<1000x128xf32>
    %add3A_140 = arith.addf %add3A_123, %dot_general3A_139 : vector<1000x128xf32>
    %slice3A_141 = vector.extract_strided_slice %add3A_22 {offsets = [0, 7], sizes = [1000, 1], strides = [1, 1]} : vector<1000x8xf32> to vector<1000x1xf32>
    %mul3A_142 = vector.broadcast %slice3A_141 : vector<1000x1xf32> to vector<1000x128xf32>
    %mul3A_143 = arith.mulf %mul3A_142, %add3A : vector<1000x128xf32>
    %get3A_144 = arith.constant 0 : index
    %get3A_145 = arith.constant 7 : index
    %get3A_146 = arith.constant 0 : index
    %get3A_147 = vector.load %arg2[%get3A_144, %get3A_145, %get3A_146] : memref<1000x8x128xf32, #tpu.memory_space<vmem>>, vector<1000x1x128xf32>
    %get3A_148 = vector.shape_cast %get3A_147 : vector<1000x1x128xf32> to vector<1000x128xf32>
    %mul3A_149 = arith.mulf %mul3A_143, %get3A_148 : vector<1000x128xf32>
    %get3A_150 = arith.constant 7 : index
    %get3A_151 = arith.constant 0 : index
    %get3A_152 = arith.constant 0 : index
    %get3A_153 = vector.load %arg5[%get3A_150, %get3A_151, %get3A_152] : memref<8x128x128xf32, #tpu.memory_space<vmem>>, vector<1x128x128xf32>
    %get3A_154 = vector.shape_cast %get3A_153 : vector<1x128x128xf32> to vector<128x128xf32>
    %dot_general3A_155 = arith.constant dense<0.000000e+00> : vector<1000x128xf32>
    %dot_general3A_156 = tpu.matmul %mul3A_149, %get3A_154, %dot_general3A_155 {dimension_numbers = #tpu.dot_dimension_numbers<[1], [0], [0], [1], [0, 0, 1, 1], [], []>, transpose_lhs_hint = false} : vector<1000x128xf32>, vector<128x128xf32>, vector<1000x128xf32> -> vector<1000x128xf32>
    %add3A_157 = arith.addf %add3A_140, %dot_general3A_156 : vector<1000x128xf32>
    %gt3A = arith.constant 0.000000e+00 : f32
    %gt3A_158 = vector.broadcast %gt3A : f32 to vector<1000x128xf32>
    %gt3A_159 = arith.cmpf ogt, %add3A_157, %gt3A_158 : vector<1000x128xf32>
    %exp3A = math.exp %add3A_157 : vector<1000x128xf32>
    %sub3A_160 = arith.constant 1.000000e+00 : f32
    %sub3A_161 = vector.broadcast %sub3A_160 : f32 to vector<1000x128xf32>
    %sub3A_162 = arith.subf %exp3A, %sub3A_161 : vector<1000x128xf32>
    %select_n3A = arith.select %gt3A_159, %add3A_157, %sub3A_162 : vector<1000x128xi1>, vector<1000x128xf32>
    %get3A_163 = arith.constant 0 : index
    %get3A_164 = arith.constant 0 : index
    %get3A_165 = vector.load %arg6[%get3A_163, %get3A_164] : memref<1x128xf32, #tpu.memory_space<vmem>>, vector<1x128xf32>
    %mul3A_166 = vector.broadcast %get3A_165 : vector<1x128xf32> to vector<1000x128xf32>
    %mul3A_167 = arith.mulf %select_n3A, %mul3A_166 : vector<1000x128xf32>
    %reduce_sum3A = arith.constant dense<0.000000e+00> : vector<1000xf32>
    %reduce_sum3A_168 = vector.multi_reduction <add>, %mul3A_167, %reduce_sum3A [1] : vector<1000x128xf32> to vector<1000xf32>
    %reshape3A = vector.shape_cast %reduce_sum3A_168 : vector<1000xf32> to vector<1x1x1000xf32>
    %swap3A = arith.constant 0 : index
    %swap3A_169 = arith.constant 0 : index
    %swap3A_170 = arith.constant 0 : index
    %swap3A_171 = vector.load %arg7[%swap3A, %swap3A_169, %swap3A_170] : memref<1x1x1000xf32, #tpu.memory_space<vmem>>, vector<1x1x1000xf32>
    tpu.vector_store %arg7[%swap3A, %swap3A_169, %swap3A_170], %reshape3A {strides = array<i32>} : memref<1x1x1000xf32, #tpu.memory_space<vmem>>, vector<1x1x1000xf32>,
    return
  }
  func.func @transform_0(%arg0: i32) -> (i32, i32) {
    %c0_i32 = arith.constant 0 : i32
    %c0_i32_0 = arith.constant 0 : i32
    return %arg0, %c0_i32 : i32, i32
  }
  func.func @transform_1(%arg0: i32) -> (i32, i32, i32) {
    %c0_i32 = arith.constant 0 : i32
    %c0_i32_0 = arith.constant 0 : i32
    %c0_i32_1 = arith.constant 0 : i32
    return %arg0, %c0_i32, %c0_i32_0 : i32, i32, i32
  }
  func.func @transform_2(%arg0: i32) -> (i32, i32) {
    %c0_i32 = arith.constant 0 : i32
    %c0_i32_0 = arith.constant 0 : i32
    %c0_i32_1 = arith.constant 0 : i32
    return %c0_i32, %c0_i32_0 : i32, i32
  }
  func.func @transform_3(%arg0: i32) -> (i32, i32) {
    %c0_i32 = arith.constant 0 : i32
    %c0_i32_0 = arith.constant 0 : i32
    %c0_i32_1 = arith.constant 0 : i32
    return %c0_i32, %c0_i32_0 : i32, i32
  }
  func.func @transform_4(%arg0: i32) -> (i32, i32, i32) {
    %c0_i32 = arith.constant 0 : i32
    %c0_i32_0 = arith.constant 0 : i32
    %c0_i32_1 = arith.constant 0 : i32
    %c0_i32_2 = arith.constant 0 : i32
    return %c0_i32, %c0_i32_0, %c0_i32_1 : i32, i32, i32
  }
  func.func @transform_5(%arg0: i32) -> (i32, i32) {
    %c0_i32 = arith.constant 0 : i32
    %c0_i32_0 = arith.constant 0 : i32
    %c0_i32_1 = arith.constant 0 : i32
    return %c0_i32, %c0_i32_0 : i32, i32
  }
  func.func @transform_6(%arg0: i32) -> (i32, i32, i32) {
    %c0_i32 = arith.constant 0 : i32
    %c0_i32_0 = arith.constant 0 : i32
    %c0_i32_1 = arith.constant 0 : i32
    return %arg0, %c0_i32, %c0_i32_0 : i32, i32, i32
  }
}

module attributes {stable_mosaic.version = 14 : i64} {
  func.func @_final_body(%arg0: i32, %arg1: memref<2x10240xf32, #tpu.memory_space<vmem>>, %arg2: memref<1x10240xf32, #tpu.memory_space<vmem>>, %arg3: memref<10240x1xi32, #tpu.memory_space<vmem>>, %arg4: memref<1x10240xi32, #tpu.memory_space<vmem>>, %arg5: memref<1x64xf32, #tpu.memory_space<vmem>>, %arg6: memref<1x10240xf32, #tpu.memory_space<vmem>>) attributes {dimension_semantics = [#tpu.dimension_semantics<arbitrary>], iteration_bounds = array<i64: 1>, scalar_prefetch = 0 : i64, scratch_operands = 0 : i64, tpu.core_type = #tpu.core_type<tc>, window_params = [{pipeline_mode = #tpu.pipeline_mode<synchronous>, transform_indices = @transform_0, window_bounds = array<i64: 2, 10240>}, {pipeline_mode = #tpu.pipeline_mode<synchronous>, transform_indices = @transform_1, window_bounds = array<i64: 1, 10240>}, {pipeline_mode = #tpu.pipeline_mode<synchronous>, transform_indices = @transform_2, window_bounds = array<i64: 10240, 1>}, {pipeline_mode = #tpu.pipeline_mode<synchronous>, transform_indices = @transform_3, window_bounds = array<i64: 1, 10240>}, {pipeline_mode = #tpu.pipeline_mode<synchronous>, transform_indices = @transform_4, window_bounds = array<i64: 1, 64>}, {pipeline_mode = #tpu.pipeline_mode<synchronous>, transform_indices = @transform_5, window_bounds = array<i64: 1, 10240>}]} {
    %get3A = arith.constant 0 : index
    %get3A_0 = arith.constant 0 : index
    %get3A_1 = vector.load %arg1[%get3A, %get3A_0] : memref<2x10240xf32, #tpu.memory_space<vmem>>, vector<1x10240xf32>
    %get3A_2 = arith.constant 1 : index
    %get3A_3 = arith.constant 0 : index
    %get3A_4 = vector.load %arg1[%get3A_2, %get3A_3] : memref<2x10240xf32, #tpu.memory_space<vmem>>, vector<1x10240xf32>
    %add3A = arith.addf %get3A_1, %get3A_4 : vector<1x10240xf32>
    %exp3A = math.exp %add3A : vector<1x10240xf32>
    %get3A_5 = arith.constant 0 : index
    %get3A_6 = arith.constant 0 : index
    %get3A_7 = vector.load %arg2[%get3A_5, %get3A_6] : memref<1x10240xf32, #tpu.memory_space<vmem>>, vector<1x10240xf32>
    %exp3A_8 = math.exp %get3A_7 : vector<1x10240xf32>
    %get3A_9 = arith.constant 0 : index
    %get3A_10 = arith.constant 0 : index
    %get3A_11 = vector.load %arg3[%get3A_9, %get3A_10] : memref<10240x1xi32, #tpu.memory_space<vmem>>, vector<10240x1xi32>
    %get3A_12 = arith.constant 0 : index
    %get3A_13 = arith.constant 0 : index
    %get3A_14 = vector.load %arg4[%get3A_12, %get3A_13] : memref<1x10240xi32, #tpu.memory_space<vmem>>, vector<1x10240xi32>
    %iota3A = tpu.iota {dimensions = array<i32: 1>} : vector<10240x64xi32>
    %eq3A = vector.broadcast %get3A_11 : vector<10240x1xi32> to vector<10240x64xi32>
    %eq3A_15 = arith.cmpi eq, %eq3A, %iota3A : vector<10240x64xi32>
    %convert_element_type3A = arith.extui %eq3A_15 : vector<10240x64xi1> to vector<10240x64xi32>
    %convert_element_type3A_16 = arith.sitofp %convert_element_type3A : vector<10240x64xi32> to vector<10240x64xf32>
    %iota3A_17 = tpu.iota {dimensions = array<i32: 0>} : vector<64x10240xi32>
    %eq3A_18 = vector.broadcast %get3A_14 : vector<1x10240xi32> to vector<64x10240xi32>
    %eq3A_19 = arith.cmpi eq, %eq3A_18, %iota3A_17 : vector<64x10240xi32>
    %convert_element_type3A_20 = arith.extui %eq3A_19 : vector<64x10240xi1> to vector<64x10240xi32>
    %convert_element_type3A_21 = arith.sitofp %convert_element_type3A_20 : vector<64x10240xi32> to vector<64x10240xf32>
    %convert_element_type3A_22 = arith.truncf %exp3A : vector<1x10240xf32> to vector<1x10240xbf16>
    %convert_element_type3A_23 = arith.extf %convert_element_type3A_22 : vector<1x10240xbf16> to vector<1x10240xf32>
    %dot_general3A = arith.constant dense<0.000000e+00> : vector<1x64xf32>
    %dot_general3A_24 = tpu.matmul %convert_element_type3A_23, %convert_element_type3A_16, %dot_general3A {dimension_numbers = #tpu.dot_dimension_numbers<[1], [0], [0], [1], [0, 0, 1, 1], [], []>, transpose_lhs_hint = false} : vector<1x10240xf32>, vector<10240x64xf32>, vector<1x64xf32> -> vector<1x64xf32>
    %sub3A = arith.subf %exp3A, %convert_element_type3A_23 : vector<1x10240xf32>
    %dot_general3A_25 = arith.constant dense<0.000000e+00> : vector<1x64xf32>
    %dot_general3A_26 = tpu.matmul %sub3A, %convert_element_type3A_16, %dot_general3A_25 {dimension_numbers = #tpu.dot_dimension_numbers<[1], [0], [0], [1], [0, 0, 1, 1], [], []>, transpose_lhs_hint = false} : vector<1x10240xf32>, vector<10240x64xf32>, vector<1x64xf32> -> vector<1x64xf32>
    %add3A_27 = arith.addf %dot_general3A_24, %dot_general3A_26 : vector<1x64xf32>
    %convert_element_type3A_28 = arith.truncf %exp3A_8 : vector<1x10240xf32> to vector<1x10240xbf16>
    %convert_element_type3A_29 = arith.extf %convert_element_type3A_28 : vector<1x10240xbf16> to vector<1x10240xf32>
    %dot_general3A_30 = arith.constant dense<0.000000e+00> : vector<1x64xf32>
    %dot_general3A_31 = tpu.matmul %convert_element_type3A_29, %convert_element_type3A_16, %dot_general3A_30 {dimension_numbers = #tpu.dot_dimension_numbers<[1], [0], [0], [1], [0, 0, 1, 1], [], []>, transpose_lhs_hint = false} : vector<1x10240xf32>, vector<10240x64xf32>, vector<1x64xf32> -> vector<1x64xf32>
    %sub3A_32 = arith.subf %exp3A_8, %convert_element_type3A_29 : vector<1x10240xf32>
    %dot_general3A_33 = arith.constant dense<0.000000e+00> : vector<1x64xf32>
    %dot_general3A_34 = tpu.matmul %sub3A_32, %convert_element_type3A_16, %dot_general3A_33 {dimension_numbers = #tpu.dot_dimension_numbers<[1], [0], [0], [1], [0, 0, 1, 1], [], []>, transpose_lhs_hint = false} : vector<1x10240xf32>, vector<10240x64xf32>, vector<1x64xf32> -> vector<1x64xf32>
    %add3A_35 = arith.addf %dot_general3A_31, %dot_general3A_34 : vector<1x64xf32>
    %convert_element_type3A_36 = arith.truncf %add3A_27 : vector<1x64xf32> to vector<1x64xbf16>
    %convert_element_type3A_37 = arith.extf %convert_element_type3A_36 : vector<1x64xbf16> to vector<1x64xf32>
    %dot_general3A_38 = arith.constant dense<0.000000e+00> : vector<1x10240xf32>
    %dot_general3A_39 = tpu.matmul %convert_element_type3A_37, %convert_element_type3A_21, %dot_general3A_38 {dimension_numbers = #tpu.dot_dimension_numbers<[1], [0], [0], [1], [0, 0, 1, 1], [], []>, transpose_lhs_hint = false} : vector<1x64xf32>, vector<64x10240xf32>, vector<1x10240xf32> -> vector<1x10240xf32>
    %sub3A_40 = arith.subf %add3A_27, %convert_element_type3A_37 : vector<1x64xf32>
    %dot_general3A_41 = arith.constant dense<0.000000e+00> : vector<1x10240xf32>
    %dot_general3A_42 = tpu.matmul %sub3A_40, %convert_element_type3A_21, %dot_general3A_41 {dimension_numbers = #tpu.dot_dimension_numbers<[1], [0], [0], [1], [0, 0, 1, 1], [], []>, transpose_lhs_hint = false} : vector<1x64xf32>, vector<64x10240xf32>, vector<1x10240xf32> -> vector<1x10240xf32>
    %add3A_43 = arith.addf %dot_general3A_39, %dot_general3A_42 : vector<1x10240xf32>
    %max3A = arith.constant 1.000000e-30 : f32
    %max3A_44 = vector.broadcast %max3A : f32 to vector<1x10240xf32>
    %max3A_45 = arith.maximumf %add3A_43, %max3A_44 : vector<1x10240xf32>
    %convert_element_type3A_46 = arith.truncf %add3A_35 : vector<1x64xf32> to vector<1x64xbf16>
    %convert_element_type3A_47 = arith.extf %convert_element_type3A_46 : vector<1x64xbf16> to vector<1x64xf32>
    %dot_general3A_48 = arith.constant dense<0.000000e+00> : vector<1x10240xf32>
    %dot_general3A_49 = tpu.matmul %convert_element_type3A_47, %convert_element_type3A_21, %dot_general3A_48 {dimension_numbers = #tpu.dot_dimension_numbers<[1], [0], [0], [1], [0, 0, 1, 1], [], []>, transpose_lhs_hint = false} : vector<1x64xf32>, vector<64x10240xf32>, vector<1x10240xf32> -> vector<1x10240xf32>
    %sub3A_50 = arith.subf %add3A_35, %convert_element_type3A_47 : vector<1x64xf32>
    %dot_general3A_51 = arith.constant dense<0.000000e+00> : vector<1x10240xf32>
    %dot_general3A_52 = tpu.matmul %sub3A_50, %convert_element_type3A_21, %dot_general3A_51 {dimension_numbers = #tpu.dot_dimension_numbers<[1], [0], [0], [1], [0, 0, 1, 1], [], []>, transpose_lhs_hint = false} : vector<1x64xf32>, vector<64x10240xf32>, vector<1x10240xf32> -> vector<1x10240xf32>
    %add3A_53 = arith.addf %dot_general3A_49, %dot_general3A_52 : vector<1x10240xf32>
    %max3A_54 = arith.constant 1.000000e-30 : f32
    %max3A_55 = vector.broadcast %max3A_54 : f32 to vector<1x10240xf32>
    %max3A_56 = arith.maximumf %add3A_53, %max3A_55 : vector<1x10240xf32>
    %get3A_57 = arith.constant 0 : index
    %get3A_58 = arith.constant 0 : index
    %get3A_59 = vector.load %arg5[%get3A_57, %get3A_58] : memref<1x64xf32, #tpu.memory_space<vmem>>, vector<1x64xf32>
    %convert_element_type3A_60 = arith.truncf %get3A_59 : vector<1x64xf32> to vector<1x64xbf16>
    %convert_element_type3A_61 = arith.extf %convert_element_type3A_60 : vector<1x64xbf16> to vector<1x64xf32>
    %dot_general3A_62 = arith.constant dense<0.000000e+00> : vector<1x10240xf32>
    %dot_general3A_63 = tpu.matmul %convert_element_type3A_61, %convert_element_type3A_21, %dot_general3A_62 {dimension_numbers = #tpu.dot_dimension_numbers<[1], [0], [0], [1], [0, 0, 1, 1], [], []>, transpose_lhs_hint = false} : vector<1x64xf32>, vector<64x10240xf32>, vector<1x10240xf32> -> vector<1x10240xf32>
    %sub3A_64 = arith.subf %get3A_59, %convert_element_type3A_61 : vector<1x64xf32>
    %dot_general3A_65 = arith.constant dense<0.000000e+00> : vector<1x10240xf32>
    %dot_general3A_66 = tpu.matmul %sub3A_64, %convert_element_type3A_21, %dot_general3A_65 {dimension_numbers = #tpu.dot_dimension_numbers<[1], [0], [0], [1], [0, 0, 1, 1], [], []>, transpose_lhs_hint = false} : vector<1x64xf32>, vector<64x10240xf32>, vector<1x10240xf32> -> vector<1x10240xf32>
    %add3A_67 = arith.addf %dot_general3A_63, %dot_general3A_66 : vector<1x10240xf32>
    %mul3A = arith.mulf %add3A_67, %exp3A : vector<1x10240xf32>
    %div3A = arith.divf %mul3A, %max3A_45 : vector<1x10240xf32>
    %sub3A_68 = arith.constant 1.000000e+00 : f32
    %sub3A_69 = vector.broadcast %sub3A_68 : f32 to vector<1x10240xf32>
    %sub3A_70 = arith.subf %sub3A_69, %add3A_67 : vector<1x10240xf32>
    %mul3A_71 = arith.mulf %sub3A_70, %exp3A_8 : vector<1x10240xf32>
    %div3A_72 = arith.divf %mul3A_71, %max3A_56 : vector<1x10240xf32>
    %add3A_73 = arith.addf %div3A, %div3A_72 : vector<1x10240xf32>
    %swap3A = arith.constant 0 : index
    %swap3A_74 = arith.constant 0 : index
    %swap3A_75 = vector.load %arg6[%swap3A, %swap3A_74] : memref<1x10240xf32, #tpu.memory_space<vmem>>, vector<1x10240xf32>
    tpu.vector_store %arg6[%swap3A, %swap3A_74], %add3A_73 {strides = array<i32>} : memref<1x10240xf32, #tpu.memory_space<vmem>>, vector<1x10240xf32>,
    return
  }
  func.func @transform_0(%arg0: i32) -> (i32, i32) {
    %c0_i32 = arith.constant 0 : i32
    %c0_i32_0 = arith.constant 0 : i32
    %c0_i32_1 = arith.constant 0 : i32
    return %c0_i32, %c0_i32_0 : i32, i32
  }
  func.func @transform_1(%arg0: i32) -> (i32, i32) {
    %c0_i32 = arith.constant 0 : i32
    %c0_i32_0 = arith.constant 0 : i32
    %c0_i32_1 = arith.constant 0 : i32
    return %c0_i32, %c0_i32_0 : i32, i32
  }
  func.func @transform_2(%arg0: i32) -> (i32, i32) {
    %c0_i32 = arith.constant 0 : i32
    %c0_i32_0 = arith.constant 0 : i32
    %c0_i32_1 = arith.constant 0 : i32
    return %c0_i32, %c0_i32_0 : i32, i32
  }
  func.func @transform_3(%arg0: i32) -> (i32, i32) {
    %c0_i32 = arith.constant 0 : i32
    %c0_i32_0 = arith.constant 0 : i32
    %c0_i32_1 = arith.constant 0 : i32
    return %c0_i32, %c0_i32_0 : i32, i32
  }
  func.func @transform_4(%arg0: i32) -> (i32, i32) {
    %c0_i32 = arith.constant 0 : i32
    %c0_i32_0 = arith.constant 0 : i32
    %c0_i32_1 = arith.constant 0 : i32
    return %c0_i32, %c0_i32_0 : i32, i32
  }
  func.func @transform_5(%arg0: i32) -> (i32, i32) {
    %c0_i32 = arith.constant 0 : i32
    %c0_i32_0 = arith.constant 0 : i32
    %c0_i32_1 = arith.constant 0 : i32
    return %c0_i32, %c0_i32_0 : i32, i32
  }
}

</mosaic_0001>

<sc_bundles>
// kernel: kernel.6.cloned.1.call-start
scs
__scs_entry_jumppad:
0x0: {  	(pc) =	sbr.rel $0x88, $3  }
0x1: {  	(tag) =	ssettag $0x0;
	lr =	simm.s32 $0x1  }
0x2: {  	[smem:$0x3F94] =	sst lr;
	_ =	strace $0xD0000000  }
0x3: {  	_ = 	snop  }
0x4: {  	_ = 	snop  }
0x5: {  	_ = 	snop  }
0x6: {  	_ = 	snop  }
0x7: {  	_ = 	snop  }
__scs_overlays_trampoline_lowered:
0x8: {  	[smem:$0x3FA3] =	sst s0  }
0x9: {  	[smem:$0x3FA4] =	sst s1  }
0xa: {  	[smem:$0x3FA5] =	sst s2  }
0xb: {  	[smem:$0x3FA6] =	sst s3  }
0xc: {  	[smem:$0x3FA7] =	sst s4  }
0xd: {  	[smem:$0x3FA8] =	sst s5  }
0xe: {  	[smem:$0x3FA9] =	sst s6  }
0xf: {  	[smem:$0x3FAA] =	sst s7  }
0x10: {  	[smem:$0x3FAB] =	sst s8  }
0x11: {  	[smem:$0x3FAC] =	sst s9;
	s0 =	simm.s32 @!p0 $0x0  }
0x12: {  	s1 =	sld [smem:$0x3F92];
	s0 =	simm.s32 @p0 $0x1  }
0x13: {  	[smem:$0x3FAD] =	sst s0;
	s0 =	simm.s32 @!p1 $0x0  }
0x14: {  	s2 =	sld [smem:$0x3F91];
	s0 =	simm.s32 @p1 $0x1  }
0x15: {  	[smem:$0x3FAE] =	sst s0;
	s0 =	simm.s32 @!p2 $0x0  }
0x16: {  	s3 =	sld [smem:$0x3FDB];
	s0 =	simm.s32 @p2 $0x1  }
0x17: {  	s4 =	simm.s32 $0x1BF5;
	[smem:$0x3FB0] =	sst s0  }
0x18: {  	s0 =	sld [smem:$0x3F93];
	_ =	swait.ge [sflag:s4], $0x0  }
0x19: {  	s7 =	sld [smem:$0x3F94]  }
0x1a: {  	s8 =	sadd.s32 $0xFFFFE003, lr  }
0x1b: {  	s9 =	sadd.s32 $0xFFFFFEF7, lr;
	s5 =	simm.s32 $0xFFFFFFFF;
	p2 =	slt.u32 s8, $0xFFFFF086  }
0x1c: {  	p1 =	slt.u32 s9, $0xF7A;
	s5 =	simm.s32 @!p2 $0x0  }
0x1d: {  	s5 =	simm.s32 @p1 $0x1;
	p0 =	seq.s32 s7, s2  }
0x1e: {  	s7 =	smul.u32 @!p0 $0xF7A, s2;
	p2 =	seq.s32 @!p0 s5, $0x0  }
0x1f: {  	s9 =	smul.u32 $0xF7A, s1;
	s8 =	simm.s32 @!p0 $0x1BF5;
	p2 =	por !p2, p0  }
0x20: {  	[sflag:s8] =	ssyncset.s32 @!p0 $0xFFFFF086;
	s6 =	sadd.s32 @!p0 s3, s7;
	s7 =	simm.s32 @!p0 $0x108  }
0x21: {  	s3 =	sadd.s32 s3, s9;
	s6 =	sadd.s32 @!p0 $0x88, s6;
	s7 =	simm.s32 @p2 $0x1082  }
0x22: {  	[simem:s7], [sflag:s8] =	dma.local @!p0 [hbm:s6], $0xF7A  }
0x23: {  	s9 =	sor.u32 $0xD0000000, s2;
	s6 =	simm.s32 $0x108;
	_ =	swait.ge @!p0 [sflag:s8], $0x0  }
0x24: {  	s3 =	sadd.s32 $0x88, s3;
	s6 =	simm.s32 @!p1 $0x1082;
	[sflag:s4] =	ssyncset.s32 $0xFFFFF086  }
0x25: {  	[simem:s6], [sflag:s4] =	dma.local [hbm:s3], $0xF7A  }
0x26: {  	[smem:$0x3F94] =	sst s1;
	(tag) =	ssettag s2;
	_ =	strace s9  }
0x27: {  	s1 =	sld [smem:$0x3FA4]  }
0x28: {  	s2 =	sld [smem:$0x3FA5]  }
0x29: {  	s4 =	sld [smem:$0x3FA7]  }
0x2a: {  	p0 =	seq.s32 s5, $0x0;
	s5 =	sld [smem:$0x3FA8]  }
0x2b: {  	s6 =	sld [smem:$0x3FA9]  }
0x2c: {  	s7 =	sld [smem:$0x3FAA]  }
0x2d: {  	s3 =	simm.s32 $0x108;
	s8 =	sld [smem:$0x3FAB]  }
0x2e: {  	s3 =	simm.s32 @!p0 $0x1082;
	s9 =	sld [smem:$0x3FAC]  }
0x2f: {  	lr =	sadd.s32 s0, s3;
	s0 =	sld [smem:$0x3FA3]  }
0x30: {  	s3 =	sld [smem:$0x3FA6]  }
0x31: {  	[smem:$0x3FAF] =	sst s10  }
0x32: {  	s10 =	sld [smem:$0x3FAD];
	_ =	sdelay $0x3  }
0x33: {  	p0 =	seq.s32 s10, $0x1;
	s10 =	sld [smem:$0x3FAF];
	_ =	sdelay $0x3  }
0x34: {  	[smem:$0x3FAF] =	sst s10  }
0x35: {  	s10 =	sld [smem:$0x3FAE];
	_ =	sdelay $0x3  }
0x36: {  	p1 =	seq.s32 s10, $0x1;
	s10 =	sld [smem:$0x3FAF];
	_ =	sdelay $0x3  }
0x37: {  	[smem:$0x3FAF] =	sst s10  }
0x38: {  	s10 =	sld [smem:$0x3FB0]  }
0x39: {  	_ = 	snop;
	(pc) =	sbr.ind lr, $3  }
0x3a: {  	_ = 	snop  }
0x3b: {  	_ = 	snop  }
0x3c: {  	p2 =	seq.s32 s10, $0x1;
	s10 =	sld [smem:$0x3FAF]  }
0x3d: {  	_ =	shalt  }
0x3e: {  	_ =	shalt  }
0x3f: {  	_ =	shalt  }
0x40: {  	_ =	shalt  }
0x41: {  	_ =	shalt  }
0x42: {  	_ =	shalt  }
0x43: {  	_ =	shalt  }
0x44: {  	_ =	shalt  }
0x45: {  	_ =	shalt  }
0x46: {  	_ =	shalt  }
0x47: {  	_ =	shalt  }
0x48: {  	_ =	shalt  }
0x49: {  	_ =	shalt  }
0x4a: {  	_ =	shalt  }
0x4b: {  	_ =	shalt  }
0x4c: {  	_ =	shalt  }
0x4d: {  	_ =	shalt  }
0x4e: {  	_ =	shalt  }
0x4f: {  	_ =	shalt  }
0x50: {  	_ =	shalt  }
0x51: {  	_ =	shalt  }
0x52: {  	_ =	shalt  }
0x53: {  	_ =	shalt  }
0x54: {  	_ =	shalt  }
0x55: {  	_ =	shalt  }
0x56: {  	_ =	shalt  }
0x57: {  	_ =	shalt  }
0x58: {  	_ =	shalt  }
0x59: {  	_ =	shalt  }
0x5a: {  	_ =	shalt  }
0x5b: {  	_ =	shalt  }
0x5c: {  	_ =	shalt  }
0x5d: {  	_ =	shalt  }
0x5e: {  	_ =	shalt  }
0x5f: {  	_ =	shalt  }
0x60: {  	_ =	shalt  }
0x61: {  	_ =	shalt  }
0x62: {  	_ =	shalt  }
0x63: {  	_ =	shalt  }
0x64: {  	_ =	shalt  }
0x65: {  	_ =	shalt  }
0x66: {  	_ =	shalt  }
0x67: {  	_ =	shalt  }
0x68: {  	_ =	shalt  }
0x69: {  	_ =	shalt  }
0x6a: {  	_ =	shalt  }
0x6b: {  	_ =	shalt  }
0x6c: {  	_ =	shalt  }
0x6d: {  	_ =	shalt  }
0x6e: {  	_ =	shalt  }
0x6f: {  	_ =	shalt  }
0x70: {  	_ =	shalt  }
0x71: {  	_ =	shalt  }
0x72: {  	_ =	shalt  }
0x73: {  	_ =	shalt  }
0x74: {  	_ =	shalt  }
0x75: {  	_ =	shalt  }
0x76: {  	_ =	shalt  }
0x77: {  	_ =	shalt  }
0x78: {  	_ =	shalt  }
0x79: {  	_ =	shalt  }
0x7a: {  	_ =	shalt  }
0x7b: {  	_ =	shalt  }
0x7c: {  	_ =	shalt  }
0x7d: {  	_ =	shalt  }
0x7e: {  	_ =	shalt  }
0x7f: {  	_ =	shalt  }
0x80: {  	_ =	shalt  }
0x81: {  	_ =	shalt  }
0x82: {  	_ =	shalt  }
0x83: {  	_ =	shalt  }
0x84: {  	_ =	shalt  }
0x85: {  	_ =	shalt  }
0x86: {  	_ =	shalt  }
0x87: {  	_ =	shalt  }
.Lfunc_end0:
.L_simem_size_0:
called_computation_lowered:
.L_overlay_start_0:
0x88: {  	s2 =	sld [smem:$0x3FD9]  }
0x89: {  	s3 =	sld [smem:$0x3FFE];
	_ =	sdelay $0x1  }
0x8a: {  	s1 =	srdreg.scid  }
0x8b: {  	s0 =	sand.u32 $0x1, s1  }
0x8c: {  	s17 =	sshll.u32 s0, $0xA;
	s2 =	sadd.s32 s3, s2  }
0x8d: {  	s2 =	sadd.s32 s2, s17  }
0x8e: {  	[smem:$0x3FBB] =	sst s2  }
0x8f: {  	_ = 	snop  }
0x90: {  	s2 =	sld [smem:$0x3FC6]  }
0x91: {  	s18 =	sld [smem:$0x3FD0];
	(tm) =	ssettm $0x1  }
0x92: {  	s4 =	sld [smem:$0x3FFB];
	_ =	sdelay $0x3  }
0x93: {  	_ =	strace s4  }
0x94: {  	s4 =	sld [smem:$0x3FFC];
	_ =	sdelay $0x3  }
0x95: {  	_ =	strace s4  }
0x96: {  	s4 =	sld [smem:$0x3FFD];
	_ =	sdelay $0x3  }
0x97: {  	_ =	strace s4  }
0x98: {  	_ =	strace $0x8FFFFFFF  }
0x99: {  	s19 =	sld [smem:$0x3FDB];
	_ =	sdelay $0x1  }
0x9a: {  	s5 =	simm.s32 $_scs_section_size  }
0x9b: {  	s6 =	simm.s32 $_size__tile_overlayer_lowered;
	s7 =	simm.s32 $_tile_overlayer_lowered  }
0x9c: {  	s22 =	simm.s32 $0x1BFF;
	s21 =	sshll.u32 s7, $0x1;
	s4 =	sadd.s32 s5, s19  }
0x9d: {  	s8 =	simm.s32 $0x0;
	s20 =	sshll.u32 s6, $0x1;
	s6 =	sadd.s32 s21, s4  }
0x9e: {  	[timem:s8], [sflag:s22] =	dma.local [hbm:s6], s20  }
0x9f: {  	_ =	swait.ge [sflag:s22], s20  }
0xa0: {  	s5 =	ssub.s32 $0x0, s20;
	[sflag:s22] =	ssyncset.done $0x0  }
0xa1: {  	[sflag:s22] =	ssyncadd.s32 s5;
	_ =	sdelay $0x1  }
0xa2: {  	s23 =	simm.s32 $0x1B8B  }
0xa3: {  	_ =	swait.ge [sflag:s23], $0x1  }
0xa4: {  	[sflag:s23] =	ssyncset.done $0x0  }
0xa5: {  	s25 =	simm.s32 $0x1B8E;
	s24 =	sld [smem:$0x3FFE];
	[sflag:s23] =	ssyncadd.s32 $0xFFFFFFFF  }
0xa6: {  	s26 =	simm.s32 $execute0_lowered;
	[smem:$0x3FD2] =	sst s25  }
0xa7: {  	s6 =	sshll.u32 s26, $0x1;
	_ =	strace $0x80000046;
	[dreg:$0x1] =	wrdreg $0xFFFFFFFF  }
0xa8: {  	s28 =	simm.s32 $_size_execute0_lowered;
	s4 =	sadd.s32 s4, s6;
	[dreg:$0x0] =	wrdreg $0x0  }
0xa9: {  	s6 =	sshll.u32 s28, $0x1;
	[dreg:$0x2] =	wrdreg s4  }
0xaa: {  	[dreg:$0x3] =	wrdreg s6  }
0xab: {  	[dreg:$0x4] =	wrdreg $0xC0  }
0xac: {  	_ =	task [dreg:s8], $0x5FFFF  }
0xad: {  	[dreg:$0x1] =	wrdreg $0xFFFFFFFF  }
0xae: {  	[dreg:$0x0] =	wrdreg $0x60  }
0xaf: {  	[dreg:$0x2] =	wrdreg s24  }
0xb0: {  	[dreg:$0x3] =	wrdreg s2  }
0xb1: {  	[dreg:$0x4] =	wrdreg s18  }
0xb2: {  	[dreg:$0x5] =	wrdreg $0xF1000  }
0xb3: {  	[dreg:$0x6] =	wrdreg $0x9  }
0xb4: {  	_ =	task.clear_ibuf [dreg:s8], $0x7FFFF;
	_ =	strace $0x90000046  }
0xb5: {  	s29 =	simm.s32 $0x9;
	_ =	strace $0x80000048  }
0xb6: {  	_ =	swait.ge [sflag:s29], $0x1  }
0xb7: {  	[sflag:s29] =	ssyncadd.s32 $0xFFFFFFFF  }
0xb8: {  	_ =	strace $0x90000048  }
0xb9: {  	_ =	sfence  }
0xba: {  	s30 =	sld [smem:$0x0];
	_ =	sdelay $0x2  }
0xbb: {  	s31 =	sshll.u32 s1, $0xD;
	s1 =	sshrl.u32 s1, $0x2  }
0xbc: {  	s3 =	sand.u32 $0x4000, s31;
	s1 =	sadd.s32 s1, s30  }
0xbd: {  	s0 =	sor.u32 s3, s0;
	s1 =	sshll.u32 s1, $0x11  }
0xbe: {  	s0 =	sor.u32 s1, s0  }
0xbf: {  	s0 =	sadd.s32 $0x8F2B, s0  }
0xc0: {  	[sflag:s0] =	ssyncadd.remote.s32 $0x1  }
0xc1: {  	_ =	sfence.sel $0xFFFF  }
0xc2: {  	[dreg:$0x0] =	wrdreg $0xFFFFFFFF;
	(pc) =	sbr.abs _section_cstart, $3  }
0xc3: {  	[dreg:$0x1] =	wrdreg $0xFFFFFFFF  }
0xc4: {  	_ =	task.clear_ibuf [dreg:s8], $0x2FFFF;
	_ =	strace $0x9FFFFFFF  }
0xc5: {  	(tm) =	ssettm $0x7FFFFFFF  }
tec
execute0_lowered:
.L_overlay_start_1:
0x0: {  	(tag) =	ssettag $0x1  }
0x1: {  	s0 =	rddreg [dreg:$0x0]  }
0x2: {  	s1 =	srdreg.scid;
	s7 =	stileid.u32  }
0x3: {  	s3 =	rddreg [dreg:$0x3];
	s4 =	simm.s32 $0x0;
	s8 =	simm.s32 $0x2  }
0x4: {  	s1 =	sand.u32 $0x1, s1;
	[smem:$0x7FF] =	sst s4;
	s22 =	smul.u32 $0x500, s7  }
0x5: {  	s23 =	sshrl.u32 s7, $0x3;
	s25 =	sshll.u32 s7, $0x7;
	s26 =	smul.u32 $0x5000, s7  }
0x6: {  	s2 =	sshll.u32 s1, $0x4;
	s5 =	sshll.u32 s1, $0x7;
	s1 =	ssub.s32 $0x2, s1  }
0x7: {  	s2 =	sor.u32 s7, s2;
	s4 =	sor.u32 s5, s22;
	s5 =	smul.u32 $0x50000, s23  }
0x8: {  	_ =	strace $0x80000047;
	s6 =	sshrl.u32 s1, $0x1;
	s2 =	smul.u32 $0x4E2, s2  }
0x9: {  	s30 =	sshrl.u32 s26, $0x2;
	s4 =	sshrl.u32 s4, $0x3;
	s1 =	ssub.s32 s1, s6  }
0xa: {  	s5 =	sshrl.u32 s5, $0x2;
	s31 =	smax.u32 s1, $0x1;
	s2 =	sadd.s32 s2, s0  }
0xb: {  	s0 =	sadd.s32 s4, s0;
	[dreg:$0x19] =	wrdreg s31;
	s24 =	sadd.s32 $0x400, s2  }
0xc: {  	s4 =	sand.u32 $0x380, s25;
	s28 =	sadd.s32 $0x14000, s2;
	[dreg:$0x13] =	wrdreg s24  }
0xd: {  	s5 =	sadd.s32 s5, s3;
	s2 =	sadd.s32 $0xA200, s2;
	[dreg:$0x14] =	wrdreg s28  }
0xe: {  	s7 =	simm.s32 $0x80;
	s29 =	sadd.s32 s4, s5;
	[dreg:$0x15] =	wrdreg s2  }
0xf: {  	s6 =	simm.s32 $0xF080;
	s0 =	sadd.s32 $0x1DE00, s0;
	[dreg:$0x16] =	wrdreg s29  }
0x10: {  	v1 =	vlaneseq.u32;
	s1 =	simm.s32 $0x0;
	s2 =	sadd.s32 s30, s3;
	[dreg:$0x18] =	wrdreg s0  }
0x11: {  	v0 =	vimm.s32 $0xFFFFFFFF;
	vm0 =	vmmov $0x7fff;
	v1 =	vadd.s32 $0x1, v1;
	s4 =	simm.s32 $0x7680;
	s5 =	simm.s32 $0x9E00;
	[dreg:$0x17] =	wrdreg s2  }
.LBB2_1:
0x12: {  	[dreg:$0x1a] =	wrdreg s1  }
0x13: {  	s24 =	simm.s32 $0x0;
	s0 =	rddreg [dreg:$0x13]  }
0x14: {  	[tilespmem:s24], [sflag:$0x1] =	stream.linear.gather [hbm4b:s0+s24], $0x2710, $0x38;
	[tilespmem:$0x11900] =	vst v63  }
0x15: {  	s25 =	rddreg [dreg:$0x14];
	s2 =	simm.s32 $0x2780  }
0x16: {  	[tilespmem:s2], [sflag:$0x1] =	stream.linear.gather [hbm4b:s25+s24], $0x2710, $0x38;
	[tilespmem:$0x11900] =	vst v63  }
0x17: {  	s26 =	rddreg [dreg:$0x15];
	s28 =	simm.s32 $0x4F00  }
0x18: {  	[tilespmem:s28], [sflag:$0x1] =	stream.linear.gather [hbm4b:s26+s24], $0x2710, $0x38;
	[tilespmem:$0x11900] =	vst v63  }
0x19: {  	s29 =	rddreg [dreg:$0x1]  }
0x1a: {  	[tilespmem:s4], [sflag:$0x1] =	stream.linear.gather [hbm4b:s29+s24], $0x2780, $0x38;
	[tilespmem:$0x11900] =	vst v63  }
0x1b: {  	s30 =	rddreg [dreg:$0x2];
	s31 =	simm.s32 $0x1  }
0x1c: {  	[tilespmem:s5], [sflag:$0x1] =	stream.linear.gather [hbm4b:s30+s24], $0x2800, $0x38;
	[tilespmem:$0x11900] =	vst v63  }
0x1d: {  	_ =	swait.ge [sflag:s31], $0x2710  }
0x1e: {  	[sflag:s31] =	ssyncset.done $0x0  }
0x1f: {  	[sflag:s31] =	ssyncadd.s32 $0xFFFFD8F0  }
0x20: {  	_ =	swait.ge [sflag:s31], $0x2710  }
0x21: {  	[sflag:s31] =	ssyncset.done $0x0  }
0x22: {  	[sflag:s31] =	ssyncadd.s32 $0xFFFFD8F0  }
0x23: {  	_ =	swait.ge [sflag:s31], $0x2710  }
0x24: {  	[sflag:s31] =	ssyncset.done $0x0  }
0x25: {  	[sflag:s31] =	ssyncadd.s32 $0xFFFFD8F0  }
0x26: {  	_ =	swait.ge [sflag:s31], $0x2780  }
0x27: {  	[sflag:s31] =	ssyncset.done $0x0  }
0x28: {  	[sflag:s31] =	ssyncadd.s32 $0xFFFFD880  }
0x29: {  	_ =	swait.ge [sflag:s31], $0x2800  }
0x2a: {  	[sflag:s31] =	ssyncset.done $0x0  }
0x2b: {  	s1 =	simm.s32 $0x20;
	[sflag:s31] =	ssyncadd.s32 $0xFFFFD800  }
0x2c: {  	s3 =	simm.s32 $0x27A0;
	s0 =	simm.s32 $0xFFFFFFFC;
	s2 =	simm.s32 $0x4F20;
	[tilespmem:$0xF090] =	vst v0  }
.LBB2_2:
0x2d: {  	v2 =	vld [tilespmem:s3+$0xFFFFFFE0];
	_ =	sdelay $0x6  }
0x2e: {  	v3 =	vld [tilespmem:s1+$0xFFFFFFE0]  }
0x2f: {  	v2 =	vld.idx.msk [tilespmem:v2+s4+$0x0], $0xffff  }
0x30: {  	v4 =	vld [tilespmem:s2+$0xFFFFFFE0];
	_ =	sdelay $0x3  }
0x31: {  	v2 =	vmul.f32 v3, v2  }
0x32: {  	v3 =	vxor.u32 $0x80000000, v4  }
0x33: {  	(xrf1) =	vsort.ascd.msk.u32 $0xffff, v3, v2;
	_ =	sdelay $0xd  }
0x34: {  	v2, v3, _ =	vpop (xrf1)  }
0x35: {  	v2 =	vxor.u32 $0x80000000, v2  }
0x36: {  	(xrf2) =	vadd.scan.msk.f32 $0xffff, v3;
	[tilespmem:$0xF080] =	vst v2  }
0x37: {  	v3 =	vld.idx.msk [tilespmem:v1+s6+$0x0], $0xffff;
	_ =	sdelay $0x4  }
0x38: {  	vm1 =	vne.s32 v2, v3  }
0x39: {  	vm2 =	vmand vm1, vm0;
	_ =	sdelay $0x2  }
0x3a: {  	v57, _, _ =	vpop (xrf2)  }
0x3b: {  	v5 =	vsub.f32 $0.0e+00, v57  }
0x3c: {  	[tilespmem:v2+s5+$0x0] =	vst.idx.add.f32.msk vm1, v57  }
0x3d: {  	[tilespmem:v3+s5+$0x0] =	vst.idx.add.f32.msk vm2, v5  }
0x3e: {  	v2 =	vld [tilespmem:s3+$0xFFFFFFF0];
	_ =	sdelay $0x6  }
0x3f: {  	v3 =	vld [tilespmem:s1+$0xFFFFFFF0]  }
0x40: {  	v2 =	vld.idx.msk [tilespmem:v2+s4+$0x0], $0xffff  }
0x41: {  	v4 =	vld [tilespmem:s2+$0xFFFFFFF0];
	_ =	sdelay $0x3  }
0x42: {  	v2 =	vmul.f32 v3, v2  }
0x43: {  	v3 =	vxor.u32 $0x80000000, v4  }
0x44: {  	(xrf1) =	vsort.ascd.msk.u32 $0xffff, v3, v2;
	_ =	sdelay $0xd  }
0x45: {  	v2, v3, _ =	vpop (xrf1)  }
0x46: {  	v2 =	vxor.u32 $0x80000000, v2  }
0x47: {  	(xrf2) =	vadd.scan.msk.f32 $0xffff, v3;
	[tilespmem:$0xF080] =	vst v2  }
0x48: {  	v3 =	vld.idx.msk [tilespmem:v1+s6+$0x0], $0xffff;
	_ =	sdelay $0x4  }
0x49: {  	vm1 =	vne.s32 v2, v3  }
0x4a: {  	vm2 =	vmand vm1, vm0;
	_ =	sdelay $0x2  }
0x4b: {  	v58, _, _ =	vpop (xrf2)  }
0x4c: {  	v59 =	vsub.f32 $0.0e+00, v58  }
0x4d: {  	[tilespmem:v2+s5+$0x0] =	vst.idx.add.f32.msk vm1, v58  }
0x4e: {  	[tilespmem:v3+s5+$0x0] =	vst.idx.add.f32.msk vm2, v59  }
0x4f: {  	v2 =	vld [tilespmem:s3+$0x0];
	_ =	sdelay $0x6  }
0x50: {  	v3 =	vld [tilespmem:s1+$0x0]  }
0x51: {  	v2 =	vld.idx.msk [tilespmem:v2+s4+$0x0], $0xffff  }
0x52: {  	v4 =	vld [tilespmem:s2+$0x0];
	_ =	sdelay $0x3  }
0x53: {  	v2 =	vmul.f32 v3, v2  }
0x54: {  	v3 =	vxor.u32 $0x80000000, v4  }
0x55: {  	(xrf1) =	vsort.ascd.msk.u32 $0xffff, v3, v2;
	_ =	sdelay $0xd  }
0x56: {  	v2, v3, _ =	vpop (xrf1)  }
0x57: {  	v2 =	vxor.u32 $0x80000000, v2  }
0x58: {  	(xrf2) =	vadd.scan.msk.f32 $0xffff, v3;
	[tilespmem:$0xF080] =	vst v2  }
0x59: {  	v3 =	vld.idx.msk [tilespmem:v1+s6+$0x0], $0xffff;
	_ =	sdelay $0x4  }
0x5a: {  	vm1 =	vne.s32 v2, v3  }
0x5b: {  	vm2 =	vmand vm1, vm0;
	_ =	sdelay $0x2  }
0x5c: {  	v60, _, _ =	vpop (xrf2)  }
0x5d: {  	v61 =	vsub.f32 $0.0e+00, v60  }
0x5e: {  	[tilespmem:v2+s5+$0x0] =	vst.idx.add.f32.msk vm1, v60  }
0x5f: {  	[tilespmem:v3+s5+$0x0] =	vst.idx.add.f32.msk vm2, v61  }
0x60: {  	v2 =	vld [tilespmem:s3+$0x10];
	_ =	sdelay $0x6  }
0x61: {  	v3 =	vld [tilespmem:s1+$0x10]  }
0x62: {  	v2 =	vld.idx.msk [tilespmem:v2+s4+$0x0], $0xffff  }
0x63: {  	v4 =	vld [tilespmem:s2+$0x10];
	_ =	sdelay $0x3  }
0x64: {  	v2 =	vmul.f32 v3, v2  }
0x65: {  	v3 =	vxor.u32 $0x80000000, v4  }
0x66: {  	(xrf1) =	vsort.ascd.msk.u32 $0xffff, v3, v2;
	_ =	sdelay $0xd  }
0x67: {  	v2, v3, _ =	vpop (xrf1)  }
0x68: {  	v2 =	vxor.u32 $0x80000000, v2  }
0x69: {  	(xrf2) =	vadd.scan.msk.f32 $0xffff, v3;
	[tilespmem:$0xF080] =	vst v2  }
0x6a: {  	v3 =	vld.idx.msk [tilespmem:v1+s6+$0x0], $0xffff;
	_ =	sdelay $0x4  }
0x6b: {  	vm1 =	vne.s32 v2, v3  }
0x6c: {  	s0 =	sadd.s32 $0x4, s0;
	vm2 =	vmand vm1, vm0  }
0x6d: {  	p0 =	slt.u32 s0, $0x26C  }
.Ltmp0:
0x6e: {  	_ = 	snop;
	(pc) =	sbr.rel @p0 .LBB2_2-.Ltmp0, $4  }
0x6f: {  	v62, _, _ =	vpop (xrf2)  }
0x70: {  	v63 =	vsub.f32 $0.0e+00, v62  }
0x71: {  	[tilespmem:v2+s5+$0x0] =	vst.idx.add.f32.msk vm1, v62  }
0x72: {  	s1 =	sadd.s32 $0x40, s1;
	s2 =	sadd.s32 $0x40, s2;
	s3 =	sadd.s32 $0x40, s3;
	[tilespmem:v3+s5+$0x0] =	vst.idx.add.f32.msk vm2, v63  }
0x73: {  	v2 =	vld [tilespmem:$0x4E80];
	_ =	sdelay $0x6  }
0x74: {  	v3 =	vld [tilespmem:$0x2700]  }
0x75: {  	v2 =	vld.idx.msk [tilespmem:v2+s4+$0x0], $0xffff  }
0x76: {  	v4 =	vld [tilespmem:$0x7600];
	_ =	sdelay $0x3  }
0x77: {  	v2 =	vmul.f32 v3, v2  }
0x78: {  	v3 =	vxor.u32 $0x80000000, v4  }
0x79: {  	(xrf1) =	vsort.ascd.msk.u32 $0xffff, v3, v2;
	_ =	sdelay $0xd  }
0x7a: {  	v2, v3, _ =	vpop (xrf1)  }
0x7b: {  	v2 =	vxor.u32 $0x80000000, v2  }
0x7c: {  	(xrf2) =	vadd.scan.msk.f32 $0xffff, v3;
	[tilespmem:$0xF080] =	vst v2  }
0x7d: {  	v3 =	vld.idx.msk [tilespmem:v1+s6+$0x0], $0xffff;
	_ =	sdelay $0x4  }
0x7e: {  	vm1 =	vne.s32 v2, v3  }
0x7f: {  	vm2 =	vmand vm1, vm0;
	_ =	sdelay $0x2  }
0x80: {  	v4, _, _ =	vpop (xrf2)  }
0x81: {  	v5 =	vsub.f32 $0.0e+00, v4  }
0x82: {  	[tilespmem:v2+s5+$0x0] =	vst.idx.add.f32.msk vm1, v4  }
0x83: {  	s0 =	rddreg [dreg:$0x16];
	s1 =	simm.s32 $0x400;
	[tilespmem:v3+s5+$0x0] =	vst.idx.add.f32.msk vm2, v5  }
0x84: {  	[spmem:s0] =	stream.strided.scatter [tilespmem:s5], [sflag:$0x2], $0x2800, s1, s7, $0x38;
	[tilespmem:$0x11900] =	vst v63  }
0x85: {  	_ =	swait.ge [sflag:s8], $0x2800  }
0x86: {  	[sflag:s8] =	ssyncset.done $0x0  }
0x87: {  	[sflag:s8] =	ssyncadd.s32 $0xFFFFD800  }
0x88: {  	s28 =	simm.s32 $0x1400;
	s2 =	simm.s32 $0x14000;
	[bflag:$0x0] =	sbarrier.arrive $0xFFFF  }
0x89: {  	s3 =	simm.s32 $0xC600;
	s29 =	simm.s32 $0x0;
	s26 =	rddreg [dreg:$0x17]  }
0x8a: {  	[tilespmem:s3], [sflag:$0x2] =	stream.strided.gather [spmem:s26], $0x2800, s2, s28, $0x38;
	[tilespmem:$0x11900] =	vst v63  }
0x8b: {  	s4 =	sand.u32 $0x1C00, s29;
	_ =	swait.ge [sflag:s8], $0x2800  }
0x8c: {  	s0 =	sadd.s32 $0xC600, s4;
	s2 =	sand.u32 $0x40, s29;
	[sflag:s8] =	ssyncset.done $0x0  }
0x8d: {  	s5 =	sor.u32 s2, s0;
	[sflag:s8] =	ssyncadd.s32 $0xFFFFD800  }
0x8e: {  	v2 =	vld [tilespmem:s5+$0x0]  }
0x8f: {  	v3 =	vld [tilespmem:s5+$0x80];
	_ =	sdelay $0x1  }
0x90: {  	v4 =	vld [tilespmem:s5+$0x100];
	_ =	sdelay $0x1  }
0x91: {  	v5 =	vld [tilespmem:s5+$0x180]  }
0x92: {  	v2 =	vadd.f32 v3, v2  }
0x93: {  	v3 =	vld [tilespmem:s5+$0x200]  }
0x94: {  	v2 =	vadd.f32 v4, v2  }
0x95: {  	v4 =	vld [tilespmem:s5+$0x280]  }
0x96: {  	v2 =	vadd.f32 v5, v2  }
0x97: {  	v5 =	vld [tilespmem:s5+$0x300]  }
0x98: {  	v2 =	vadd.f32 v3, v2  }
0x99: {  	s11 =	sadd.s32 $0xDA00, s4;
	v3 =	vld [tilespmem:s5+$0x380]  }
0x9a: {  	s6 =	sor.u32 s2, s11;
	v2 =	vadd.f32 v4, v2  }
0x9b: {  	s1 =	sadd.s32 $0xDA80, s4;
	v4 =	vld [tilespmem:s6+$0x0]  }
0x9c: {  	s7 =	sor.u32 s2, s1;
	v2 =	vadd.f32 v5, v2  }
0x9d: {  	s13 =	sadd.s32 $0xDB00, s4;
	v5 =	vld [tilespmem:s7+$0x0]  }
0x9e: {  	s8 =	sor.u32 s2, s13;
	v2 =	vadd.f32 v3, v2  }
0x9f: {  	s5 =	sadd.s32 $0xDB80, s4;
	v3 =	vld [tilespmem:s8+$0x0]  }
0xa0: {  	s9 =	sor.u32 s2, s5;
	v2 =	vadd.f32 v4, v2  }
0xa1: {  	s6 =	sadd.s32 $0xDC00, s4;
	v4 =	vld [tilespmem:s9+$0x0]  }
0xa2: {  	s10 =	sor.u32 s2, s6;
	v2 =	vadd.f32 v5, v2  }
0xa3: {  	s7 =	sadd.s32 $0xDC80, s4;
	v5 =	vld [tilespmem:s10+$0x0]  }
0xa4: {  	s9 =	sor.u32 s2, s7;
	v2 =	vadd.f32 v3, v2  }
0xa5: {  	s8 =	sadd.s32 $0xDD00, s4;
	v3 =	vld [tilespmem:s9+$0x0]  }
0xa6: {  	s12 =	sor.u32 s2, s8;
	v2 =	vadd.f32 v4, v2  }
0xa7: {  	s10 =	sadd.s32 $0xDD80, s4;
	v4 =	vld [tilespmem:s12+$0x0]  }
0xa8: {  	s3 =	sor.u32 s2, s10;
	v2 =	vadd.f32 v5, v2  }
0xa9: {  	v5 =	vld [tilespmem:s3+$0x0]  }
0xaa: {  	v2 =	vadd.f32 v3, v2;
	_ =	sdelay $0x1  }
0xab: {  	v2 =	vadd.f32 v4, v2;
	_ =	sdelay $0x1  }
0xac: {  	v2 =	vadd.f32 v5, v2  }
0xad: {  	s14 =	simm.s32 $0xEE00;
	s12 =	sor.u32 $0x10, s2  }
0xae: {  	s15 =	sor.u32 s12, s0;
	[tilespmem:s14+$0x0] =	vst v2  }
0xaf: {  	v2 =	vld [tilespmem:s15+$0x0]  }
0xb0: {  	v3 =	vld [tilespmem:s15+$0x80];
	_ =	sdelay $0x1  }
0xb1: {  	v4 =	vld [tilespmem:s15+$0x100];
	_ =	sdelay $0x1  }
0xb2: {  	v5 =	vld [tilespmem:s15+$0x180]  }
0xb3: {  	v2 =	vadd.f32 v3, v2  }
0xb4: {  	v3 =	vld [tilespmem:s15+$0x200]  }
0xb5: {  	v2 =	vadd.f32 v4, v2  }
0xb6: {  	v4 =	vld [tilespmem:s15+$0x280]  }
0xb7: {  	v2 =	vadd.f32 v5, v2  }
0xb8: {  	v5 =	vld [tilespmem:s15+$0x300]  }
0xb9: {  	v2 =	vadd.f32 v3, v2  }
0xba: {  	v3 =	vld [tilespmem:s15+$0x380]  }
0xbb: {  	s16 =	sor.u32 s12, s11;
	v2 =	vadd.f32 v4, v2  }
0xbc: {  	v4 =	vld [tilespmem:s16+$0x0]  }
0xbd: {  	s17 =	sor.u32 s12, s1;
	v2 =	vadd.f32 v5, v2  }
0xbe: {  	v5 =	vld [tilespmem:s17+$0x0]  }
0xbf: {  	s18 =	sor.u32 s12, s13;
	v2 =	vadd.f32 v3, v2  }
0xc0: {  	v3 =	vld [tilespmem:s18+$0x0]  }
0xc1: {  	s19 =	sor.u32 s12, s5;
	v2 =	vadd.f32 v4, v2  }
0xc2: {  	v4 =	vld [tilespmem:s19+$0x0]  }
0xc3: {  	s20 =	sor.u32 s12, s6;
	v2 =	vadd.f32 v5, v2  }
0xc4: {  	v5 =	vld [tilespmem:s20+$0x0]  }
0xc5: {  	s21 =	sor.u32 s12, s7;
	v2 =	vadd.f32 v3, v2  }
0xc6: {  	v3 =	vld [tilespmem:s21+$0x0]  }
0xc7: {  	s22 =	sor.u32 s12, s8;
	v2 =	vadd.f32 v4, v2  }
0xc8: {  	v4 =	vld [tilespmem:s22+$0x0]  }
0xc9: {  	s23 =	sor.u32 s12, s10;
	v2 =	vadd.f32 v5, v2  }
0xca: {  	v5 =	vld [tilespmem:s23+$0x0]  }
0xcb: {  	v2 =	vadd.f32 v3, v2;
	_ =	sdelay $0x1  }
0xcc: {  	v2 =	vadd.f32 v4, v2  }
0xcd: {  	s24 =	sand.u32 $0x380, s29  }
0xce: {  	s9 =	sadd.s32 $0xEE00, s24;
	v2 =	vadd.f32 v5, v2  }
0xcf: {  	s25 =	sor.u32 $0x20, s2;
	s12 =	sor.u32 s12, s9  }
0xd0: {  	s26 =	sor.u32 s25, s0;
	[tilespmem:s12+$0x0] =	vst v2  }
0xd1: {  	v2 =	vld [tilespmem:s26+$0x0]  }
0xd2: {  	v3 =	vld [tilespmem:s26+$0x80];
	_ =	sdelay $0x1  }
0xd3: {  	v4 =	vld [tilespmem:s26+$0x100];
	_ =	sdelay $0x1  }
0xd4: {  	v5 =	vld [tilespmem:s26+$0x180]  }
0xd5: {  	v2 =	vadd.f32 v3, v2  }
0xd6: {  	v3 =	vld [tilespmem:s26+$0x200]  }
0xd7: {  	v2 =	vadd.f32 v4, v2  }
0xd8: {  	v4 =	vld [tilespmem:s26+$0x280]  }
0xd9: {  	v2 =	vadd.f32 v5, v2  }
0xda: {  	v5 =	vld [tilespmem:s26+$0x300]  }
0xdb: {  	v2 =	vadd.f32 v3, v2  }
0xdc: {  	v3 =	vld [tilespmem:s26+$0x380]  }
0xdd: {  	s28 =	sor.u32 s25, s11;
	v2 =	vadd.f32 v4, v2  }
0xde: {  	v4 =	vld [tilespmem:s28+$0x0]  }
0xdf: {  	s4 =	sor.u32 s25, s1;
	v2 =	vadd.f32 v5, v2  }
0xe0: {  	v5 =	vld [tilespmem:s4+$0x0]  }
0xe1: {  	s14 =	sor.u32 s25, s13;
	v2 =	vadd.f32 v3, v2  }
0xe2: {  	v3 =	vld [tilespmem:s14+$0x0]  }
0xe3: {  	s15 =	sor.u32 s25, s5;
	v2 =	vadd.f32 v4, v2  }
0xe4: {  	v4 =	vld [tilespmem:s15+$0x0]  }
0xe5: {  	s16 =	sor.u32 s25, s6;
	v2 =	vadd.f32 v5, v2  }
0xe6: {  	v5 =	vld [tilespmem:s16+$0x0]  }
0xe7: {  	s17 =	sor.u32 s25, s7;
	v2 =	vadd.f32 v3, v2  }
0xe8: {  	v3 =	vld [tilespmem:s17+$0x0]  }
0xe9: {  	s18 =	sor.u32 s25, s8;
	v2 =	vadd.f32 v4, v2  }
0xea: {  	v4 =	vld [tilespmem:s18+$0x0]  }
0xeb: {  	s19 =	sor.u32 s25, s10;
	v2 =	vadd.f32 v5, v2  }
0xec: {  	v5 =	vld [tilespmem:s19+$0x0]  }
0xed: {  	v2 =	vadd.f32 v3, v2;
	_ =	sdelay $0x1  }
0xee: {  	v2 =	vadd.f32 v4, v2;
	_ =	sdelay $0x1  }
0xef: {  	v2 =	vadd.f32 v5, v2  }
0xf0: {  	s2 =	sor.u32 $0x30, s2;
	s3 =	sor.u32 s25, s9  }
0xf1: {  	s0 =	sor.u32 s2, s0;
	[tilespmem:s3+$0x0] =	vst v2  }
0xf2: {  	v2 =	vld [tilespmem:s0+$0x0]  }
0xf3: {  	v3 =	vld [tilespmem:s0+$0x80];
	_ =	sdelay $0x1  }
0xf4: {  	v4 =	vld [tilespmem:s0+$0x100];
	_ =	sdelay $0x1  }
0xf5: {  	v5 =	vld [tilespmem:s0+$0x180]  }
0xf6: {  	v2 =	vadd.f32 v3, v2  }
0xf7: {  	v3 =	vld [tilespmem:s0+$0x200]  }
0xf8: {  	v2 =	vadd.f32 v4, v2  }
0xf9: {  	v4 =	vld [tilespmem:s0+$0x280]  }
0xfa: {  	v2 =	vadd.f32 v5, v2  }
0xfb: {  	v5 =	vld [tilespmem:s0+$0x300]  }
0xfc: {  	v2 =	vadd.f32 v3, v2  }
0xfd: {  	v3 =	vld [tilespmem:s0+$0x380]  }
0xfe: {  	s20 =	sor.u32 s2, s11;
	v2 =	vadd.f32 v4, v2  }
0xff: {  	v4 =	vld [tilespmem:s20+$0x0]  }
0x100: {  	s21 =	sor.u32 s2, s1;
	v2 =	vadd.f32 v5, v2  }
0x101: {  	v5 =	vld [tilespmem:s21+$0x0]  }
0x102: {  	s22 =	sor.u32 s2, s13;
	v2 =	vadd.f32 v3, v2  }
0x103: {  	v3 =	vld [tilespmem:s22+$0x0]  }
0x104: {  	s23 =	sor.u32 s2, s5;
	v2 =	vadd.f32 v4, v2  }
0x105: {  	v4 =	vld [tilespmem:s23+$0x0]  }
0x106: {  	s24 =	sor.u32 s2, s6;
	v2 =	vadd.f32 v5, v2  }
0x107: {  	v5 =	vld [tilespmem:s24+$0x0]  }
0x108: {  	s25 =	sor.u32 s2, s7;
	v2 =	vadd.f32 v3, v2  }
0x109: {  	v6 =	vld [tilespmem:s25+$0x0]  }
0x10a: {  	v2 =	vadd.f32 v4, v2;
	_ =	sdelay $0x1  }
0x10b: {  	s26 =	sor.u32 s2, s8;
	v4 =	vadd.f32 v5, v2  }
0x10c: {  	s30 =	simm.s32 $0xEE40;
	s28 =	sor.u32 s2, s10;
	v3 =	vld [tilespmem:s26+$0x0]  }
0x10d: {  	s31 =	simm.s32 $0x0;
	s10 =	sor.u32 s2, s9;
	s20 =	simm.s32 $0x0;
	v2 =	vld [tilespmem:s28+$0x0];
	v4 =	vadd.f32 v6, v4  }
.LBB2_4:
0x10e: {  	_ =	sdelay $0x2  }
0x10f: {  	v3 =	vadd.f32 v3, v4  }
0x110: {  	s29 =	sadd.s32 $0x200, s29  }
0x111: {  	s31 =	sadd.s32 $0x40, s31;
	s0 =	sand.u32 $0x1C00, s29;
	v2 =	vadd.f32 v2, v3  }
0x112: {  	s23 =	sand.u32 $0x40, s31;
	s2 =	sadd.s32 $0xC600, s0  }
0x113: {  	s24 =	sor.u32 s23, s2;
	[tilespmem:s10+$0x0] =	vst v2  }
0x114: {  	v2 =	vld [tilespmem:s24+$0x0]  }
0x115: {  	v3 =	vld [tilespmem:s24+$0x80];
	_ =	sdelay $0x1  }
0x116: {  	v4 =	vld [tilespmem:s24+$0x100];
	_ =	sdelay $0x1  }
0x117: {  	v5 =	vld [tilespmem:s24+$0x180]  }
0x118: {  	v2 =	vadd.f32 v3, v2  }
0x119: {  	v3 =	vld [tilespmem:s24+$0x200]  }
0x11a: {  	v2 =	vadd.f32 v4, v2  }
0x11b: {  	v4 =	vld [tilespmem:s24+$0x280]  }
0x11c: {  	v2 =	vadd.f32 v5, v2  }
0x11d: {  	v5 =	vld [tilespmem:s24+$0x300]  }
0x11e: {  	v2 =	vadd.f32 v3, v2  }
0x11f: {  	s25 =	sadd.s32 $0xDA00, s0;
	v3 =	vld [tilespmem:s24+$0x380]  }
0x120: {  	s21 =	sor.u32 s23, s25;
	v2 =	vadd.f32 v4, v2  }
0x121: {  	s5 =	sadd.s32 $0xDA80, s0;
	v4 =	vld [tilespmem:s21+$0x0]  }
0x122: {  	s19 =	sor.u32 s23, s5;
	v2 =	vadd.f32 v5, v2  }
0x123: {  	s6 =	sadd.s32 $0xDB00, s0;
	v5 =	vld [tilespmem:s19+$0x0]  }
0x124: {  	s22 =	sor.u32 s23, s6;
	v2 =	vadd.f32 v3, v2  }
0x125: {  	s7 =	sadd.s32 $0xDB80, s0;
	v3 =	vld [tilespmem:s22+$0x0]  }
0x126: {  	s3 =	sor.u32 s23, s7;
	v2 =	vadd.f32 v4, v2  }
0x127: {  	s8 =	sadd.s32 $0xDC00, s0;
	v4 =	vld [tilespmem:s3+$0x0]  }
0x128: {  	s12 =	sor.u32 s23, s8;
	v2 =	vadd.f32 v5, v2  }
0x129: {  	s18 =	sadd.s32 $0xDC80, s0;
	v5 =	vld [tilespmem:s12+$0x0]  }
0x12a: {  	s13 =	sor.u32 s23, s18;
	s10 =	sor.u32 $0x10, s23;
	v2 =	vadd.f32 v3, v2  }
0x12b: {  	s9 =	sadd.s32 $0xDD00, s0;
	s4 =	sadd.s32 $0xDD80, s0;
	s26 =	sor.u32 s10, s18;
	v3 =	vld [tilespmem:s13+$0x0]  }
0x12c: {  	s28 =	sor.u32 s23, s9;
	[dreg:$0x12] =	wrdreg s26;
	s26 =	sor.u32 s10, s9;
	v2 =	vadd.f32 v4, v2  }
0x12d: {  	s11 =	sor.u32 $0x20, s23;
	[dreg:$0x11] =	wrdreg s26;
	s26 =	sor.u32 s10, s4;
	v4 =	vld [tilespmem:s28+$0x0]  }
0x12e: {  	s1 =	sor.u32 s23, s4;
	[dreg:$0x10] =	wrdreg s26;
	s26 =	sor.u32 s11, s25;
	v2 =	vadd.f32 v5, v2  }
0x12f: {  	[dreg:$0xf] =	wrdreg s26;
	s26 =	sor.u32 s11, s5;
	v5 =	vld [tilespmem:s1+$0x0]  }
0x130: {  	[dreg:$0xe] =	wrdreg s26;
	s26 =	sor.u32 s11, s6;
	v2 =	vadd.f32 v3, v2  }
0x131: {  	[dreg:$0xd] =	wrdreg s26;
	s26 =	sor.u32 s11, s7  }
0x132: {  	[dreg:$0xc] =	wrdreg s26;
	s26 =	sor.u32 s11, s8;
	v2 =	vadd.f32 v4, v2  }
0x133: {  	[dreg:$0xb] =	wrdreg s26;
	s26 =	sor.u32 s11, s18  }
0x134: {  	[dreg:$0xa] =	wrdreg s26;
	s26 =	sor.u32 s11, s9;
	v2 =	vadd.f32 v5, v2  }
0x135: {  	[dreg:$0x9] =	wrdreg s26;
	s26 =	sor.u32 s11, s4  }
0x136: {  	[dreg:$0x8] =	wrdreg s26;
	s26 =	sor.u32 s10, s2;
	[tilespmem:s30+$0x0] =	vst v2  }
0x137: {  	v2 =	vld [tilespmem:s26+$0x0]  }
0x138: {  	v3 =	vld [tilespmem:s26+$0x80];
	_ =	sdelay $0x1  }
0x139: {  	v4 =	vld [tilespmem:s26+$0x100];
	_ =	sdelay $0x1  }
0x13a: {  	v5 =	vld [tilespmem:s26+$0x180]  }
0x13b: {  	v2 =	vadd.f32 v3, v2  }
0x13c: {  	v3 =	vld [tilespmem:s26+$0x200]  }
0x13d: {  	v2 =	vadd.f32 v4, v2  }
0x13e: {  	v4 =	vld [tilespmem:s26+$0x280]  }
0x13f: {  	v2 =	vadd.f32 v5, v2  }
0x140: {  	v5 =	vld [tilespmem:s26+$0x300]  }
0x141: {  	v2 =	vadd.f32 v3, v2  }
0x142: {  	v3 =	vld [tilespmem:s26+$0x380]  }
0x143: {  	s0 =	sor.u32 s10, s25;
	v2 =	vadd.f32 v4, v2  }
0x144: {  	v4 =	vld [tilespmem:s0+$0x0]  }
0x145: {  	s15 =	sor.u32 s10, s5;
	v2 =	vadd.f32 v5, v2  }
0x146: {  	v5 =	vld [tilespmem:s15+$0x0]  }
0x147: {  	s14 =	sor.u32 s10, s6;
	v2 =	vadd.f32 v3, v2  }
0x148: {  	v3 =	vld [tilespmem:s14+$0x0]  }
0x149: {  	s17 =	sor.u32 s10, s7;
	v2 =	vadd.f32 v4, v2  }
0x14a: {  	v4 =	vld [tilespmem:s17+$0x0]  }
0x14b: {  	s16 =	sor.u32 s10, s8;
	v2 =	vadd.f32 v5, v2  }
0x14c: {  	v5 =	vld [tilespmem:s16+$0x0]  }
0x14d: {  	s28 =	rddreg [dreg:$0x12];
	v2 =	vadd.f32 v3, v2  }
0x14e: {  	v3 =	vld [tilespmem:s28+$0x0]  }
0x14f: {  	s1 =	rddreg [dreg:$0x11];
	v2 =	vadd.f32 v4, v2  }
0x150: {  	v4 =	vld [tilespmem:s1+$0x0]  }
0x151: {  	s3 =	rddreg [dreg:$0x10];
	v2 =	vadd.f32 v5, v2  }
0x152: {  	v5 =	vld [tilespmem:s3+$0x0]  }
0x153: {  	s23 =	sor.u32 $0x30, s23;
	v2 =	vadd.f32 v3, v2  }
0x154: {  	s5 =	sor.u32 s23, s5  }
0x155: {  	[dreg:$0x6] =	wrdreg s5;
	v2 =	vadd.f32 v4, v2  }
0x156: {  	s5 =	sor.u32 s23, s4;
	s7 =	sor.u32 s23, s7;
	s4 =	sand.u32 $0x380, s31  }
0x157: {  	[dreg:$0x5] =	wrdreg s7;
	s7 =	sor.u32 s23, s9;
	s9 =	sadd.s32 $0xEE00, s4;
	v2 =	vadd.f32 v5, v2  }
0x158: {  	s12 =	sor.u32 s10, s9  }
0x159: {  	s13 =	sor.u32 s11, s2;
	[tilespmem:s12+$0x0] =	vst v2  }
0x15a: {  	v2 =	vld [tilespmem:s13+$0x0]  }
0x15b: {  	v3 =	vld [tilespmem:s13+$0x80];
	_ =	sdelay $0x1  }
0x15c: {  	v4 =	vld [tilespmem:s13+$0x100];
	_ =	sdelay $0x1  }
0x15d: {  	v5 =	vld [tilespmem:s13+$0x180]  }
0x15e: {  	v2 =	vadd.f32 v3, v2  }
0x15f: {  	v3 =	vld [tilespmem:s13+$0x200]  }
0x160: {  	v2 =	vadd.f32 v4, v2  }
0x161: {  	v4 =	vld [tilespmem:s13+$0x280]  }
0x162: {  	v2 =	vadd.f32 v5, v2  }
0x163: {  	v5 =	vld [tilespmem:s13+$0x300]  }
0x164: {  	v2 =	vadd.f32 v3, v2  }
0x165: {  	v3 =	vld [tilespmem:s13+$0x380]  }
0x166: {  	s14 =	rddreg [dreg:$0xf];
	v2 =	vadd.f32 v4, v2  }
0x167: {  	v4 =	vld [tilespmem:s14+$0x0]  }
0x168: {  	s15 =	rddreg [dreg:$0xe];
	v2 =	vadd.f32 v5, v2  }
0x169: {  	v5 =	vld [tilespmem:s15+$0x0]  }
0x16a: {  	s16 =	rddreg [dreg:$0xd];
	v2 =	vadd.f32 v3, v2  }
0x16b: {  	v3 =	vld [tilespmem:s16+$0x0]  }
0x16c: {  	s25 =	sor.u32 s23, s25;
	s17 =	rddreg [dreg:$0xc];
	v2 =	vadd.f32 v4, v2  }
0x16d: {  	[dreg:$0x7] =	wrdreg s25;
	v4 =	vld [tilespmem:s17+$0x0]  }
0x16e: {  	s25 =	sor.u32 s23, s6;
	s6 =	sor.u32 s23, s18;
	s18 =	rddreg [dreg:$0xb];
	v2 =	vadd.f32 v5, v2  }
0x16f: {  	v5 =	vld [tilespmem:s18+$0x0]  }
0x170: {  	s19 =	rddreg [dreg:$0xa];
	v2 =	vadd.f32 v3, v2  }
0x171: {  	v3 =	vld [tilespmem:s19+$0x0]  }
0x172: {  	s21 =	rddreg [dreg:$0x9];
	v2 =	vadd.f32 v4, v2  }
0x173: {  	v4 =	vld [tilespmem:s21+$0x0]  }
0x174: {  	s22 =	rddreg [dreg:$0x8];
	v2 =	vadd.f32 v5, v2  }
0x175: {  	v5 =	vld [tilespmem:s22+$0x0]  }
0x176: {  	v2 =	vadd.f32 v3, v2;
	_ =	sdelay $0x1  }
0x177: {  	v2 =	vadd.f32 v4, v2;
	_ =	sdelay $0x1  }
0x178: {  	v2 =	vadd.f32 v5, v2  }
0x179: {  	s0 =	sor.u32 s11, s9  }
0x17a: {  	s8 =	sor.u32 s23, s8;
	s10 =	sor.u32 s23, s9;
	s23 =	sor.u32 s23, s2;
	[tilespmem:s0+$0x0] =	vst v2  }
0x17b: {  	v2 =	vld [tilespmem:s23+$0x0]  }
0x17c: {  	v3 =	vld [tilespmem:s23+$0x80];
	_ =	sdelay $0x1  }
0x17d: {  	v4 =	vld [tilespmem:s23+$0x100];
	_ =	sdelay $0x1  }
0x17e: {  	v5 =	vld [tilespmem:s23+$0x180]  }
0x17f: {  	v2 =	vadd.f32 v3, v2  }
0x180: {  	v6 =	vld [tilespmem:s23+$0x200]  }
0x181: {  	v2 =	vadd.f32 v4, v2  }
0x182: {  	v7 =	vld [tilespmem:s23+$0x280]  }
0x183: {  	v2 =	vadd.f32 v5, v2  }
0x184: {  	v8 =	vld [tilespmem:s23+$0x300]  }
0x185: {  	v2 =	vadd.f32 v6, v2  }
0x186: {  	v9 =	vld [tilespmem:s23+$0x380]  }
0x187: {  	s24 =	rddreg [dreg:$0x7];
	v7 =	vadd.f32 v7, v2  }
0x188: {  	v4 =	vld [tilespmem:s24+$0x0]  }
0x189: {  	s26 =	rddreg [dreg:$0x6];
	v7 =	vadd.f32 v8, v7  }
0x18a: {  	v10 =	vld [tilespmem:s26+$0x0]  }
0x18b: {  	v7 =	vadd.f32 v9, v7  }
0x18c: {  	v5 =	vld [tilespmem:s25+$0x0]  }
0x18d: {  	s28 =	rddreg [dreg:$0x5];
	v4 =	vadd.f32 v4, v7  }
0x18e: {  	v11 =	vld [tilespmem:s28+$0x0]  }
0x18f: {  	v4 =	vadd.f32 v10, v4  }
0x190: {  	v6 =	vld [tilespmem:s8+$0x0]  }
0x191: {  	s20 =	sadd.s32 $0x4, s20;
	v4 =	vadd.f32 v5, v4  }
0x192: {  	p0 =	slt.u32 s20, $0x24;
	v12 =	vld [tilespmem:s6+$0x0]  }
.Ltmp1:
0x193: {  	v4 =	vadd.f32 v11, v4;
	(pc) =	sbr.rel @p0 .LBB2_4-.Ltmp1, $4  }
0x194: {  	_ = 	snop  }
0x195: {  	v4 =	vadd.f32 v6, v4  }
0x196: {  	v3 =	vld [tilespmem:s7+$0x0]  }
0x197: {  	s30 =	sadd.s32 $0x40, s30;
	v2 =	vld [tilespmem:s5+$0x0];
	v4 =	vadd.f32 v12, v4  }
0x198: {  	_ =	sdelay $0x2  }
0x199: {  	v3 =	vadd.f32 v3, v4;
	_ =	sdelay $0x1  }
0x19a: {  	v2 =	vadd.f32 v2, v3  }
0x19b: {  	s0 =	rddreg [dreg:$0x18];
	s7 =	simm.s32 $0x80  }
0x19c: {  	s1 =	simm.s32 $0x100;
	s2 =	simm.s32 $0xEE00;
	s8 =	simm.s32 $0x2;
	[tilespmem:s10+$0x0] =	vst v2  }
0x19d: {  	[hbm4b:s0+s7] =	stream.strided.scatter [tilespmem:s2], [sflag:$0x2], $0x280, s1, s7, $0x38;
	[tilespmem:$0x11900] =	vst v63  }
0x19e: {  	_ =	swait.ge [sflag:s8], $0x280  }
0x19f: {  	s30 =	rddreg [dreg:$0x1a]  }
0x1a0: {  	s31 =	rddreg [dreg:$0x19];
	s1 =	sadd.s32 $0x1, s30  }
0x1a1: {  	p0 =	sne.s32 s1, s31  }
.Ltmp2:
0x1a2: {  	_ = 	snop;
	(pc) =	sbr.rel @p0 .LBB2_1-.Ltmp2, $3  }
0x1a3: {  	_ =	sdelay $0x1  }
0x1a4: {  	s4 =	simm.s32 $0x7680;
	[sflag:s8] =	ssyncset.done $0x0  }
0x1a5: {  	s5 =	simm.s32 $0x9E00;
	s6 =	simm.s32 $0xF080;
	[sflag:s8] =	ssyncadd.s32 $0xFFFFFD80  }
0x1a6: {  	_ =	sfence.sel $0x180000  }
0x1a7: {  	[bflag:$0x0] =	sbarrier.arrive $0xFFFF  }
0x1a8: {  	_ =	strace $0x90000047  }
0x1a9: {  	s0 =	stileid.u32;
	[bflag:$0x2] =	sbarrier.arrive $0xFFFF  }
0x1aa: {  	p0 =	sne.s32 s0, $0x0;
	s0 =	rddreg [dreg:$0x4]  }
0x1ab: {  	s0 =	sadd.s32 @!p0 $0x100000, s0  }
0x1ac: {  	[sflag:s0] =	ssyncadd.tile.s32 @!p0 $0x1;
	_ =	shalt  }
.Lfunc_end2:
_tile_overlayer_lowered:
.L_overlay_start_2:
0x1ad: {  	(tag) =	ssettag $0x2  }
0x1ae: {  	s0 =	rddreg [dreg:$0x0];
	s2 =	stileid.u32  }
0x1af: {  	s1 =	rddreg [dreg:$0x1];
	p0 =	sne.s32 s2, $0x0  }
0x1b0: {  	s3 =	rddreg [dreg:$0x2];
	[bflag:$0x3] =	sbarrier.arrive $0xFFFF;
	s2 =	simm.s32 @!p0 $0x1C02  }
0x1b1: {  	[timem:s3], [sflag:s2] =	dma.local @!p0 [hbm:s0], s1  }
0x1b2: {  	s0 =	simm.s32 @!p0 $0x2  }
0x1b3: {  	_ =	swait.ge @!p0 [sflag:s0], s1  }
0x1b4: {  	s1 =	ssub.s32 @!p0 $0x0, s1;
	[sflag:s0] =	ssyncset.done @!p0 $0x0  }
0x1b5: {  	[sflag:s0] =	ssyncadd.s32 @!p0 s1  }
0x1b6: {  	[bflag:$0x3] =	sbarrier.arrive $0xFFFF  }
0x1b7: {  	_ =	shalt  }

</sc_bundles>
